<compile_context>
chip_gen: v7x
topology: tpu7x:2x2x1
jax: 0.10.2.dev20260603
libtpu: 0.0.44.dev20260713+nightly
codegen_flags: <defaults>
</compile_context>

<pallas_src>
import functools

import jax
import jax.numpy as jnp
from jax import lax
from jax.experimental import pallas as pl
from jax.experimental.pallas import tpu as pltpu
from jax.experimental.pallas import tpu_sc as plsc

EMB_DIM = 64
CHUNK = 128
GROUP = 256
NBUF = 4
NW = 32
K = GROUP // CHUNK


@functools.lru_cache(maxsize=None)
def _build(B: int):
    b_per_w = B // NW
    n_groups = b_per_w // GROUP
    assert n_groups % NBUF == 0 and n_groups > 2 * NBUF
    mesh = plsc.VectorSubcoreMesh(core_axis_name="c", subcore_axis_name="s")

    @functools.partial(
        pl.kernel,
        mesh=mesh,
        compiler_params=pltpu.CompilerParams(use_tc_tiling_on_sc=False),
        out_type=jax.ShapeDtypeStruct((B, EMB_DIM), jnp.float32),
        scratch_types=[
            pltpu.VMEM((b_per_w // CHUNK, CHUNK), jnp.int32),
            *[pltpu.VMEM((GROUP, EMB_DIM), jnp.float32) for _ in range(NBUF)],
            *[pltpu.SemaphoreType.DMA for _ in range(2 * NBUF)],
        ],
    )
    def kern(idx_hbm, table_hbm, out_hbm, idx_v, *bufs_and_sems):
        rows = bufs_and_sems[:NBUF]
        sem_g = bufs_and_sems[NBUF:2 * NBUF]
        sem_s = bufs_and_sems[2 * NBUF:]
        wid = lax.axis_index("s") * 2 + lax.axis_index("c")
        base = wid * b_per_w
        pltpu.sync_copy(idx_hbm.at[pl.ds(wid * (b_per_w // CHUNK),
                                         b_per_w // CHUNK)], idx_v)

        def start_gather(g, b):
            for c in range(K):
                pltpu.async_copy(
                    table_hbm.at[idx_v.at[g * K + c]],
                    rows[b].at[pl.ds(c * CHUNK, CHUNK)],
                    sem_g[b],
                )

        def wait_gather(b):
            for c in range(K):
                pltpu.make_async_copy(
                    table_hbm.at[idx_v.at[c]],
                    rows[b].at[pl.ds(c * CHUNK, CHUNK)],
                    sem_g[b],
                ).wait()

        def start_store(g, b):
            pltpu.async_copy(rows[b], out_hbm.at[pl.ds(base + g * GROUP, GROUP)],
                             sem_s[b])

        def wait_store(b):
            pltpu.make_async_copy(rows[b], out_hbm.at[pl.ds(base, GROUP)],
                                  sem_s[b]).wait()

        start_gather(0, 0)
        for g in range(NBUF - 1):
            start_gather(g + 1, (g + 1) % NBUF)
            wait_gather(g % NBUF)
            start_store(g, g % NBUF)

        def body(i, carry):
            for j in range(NBUF):
                g = (NBUF - 1) + i * NBUF + j
                b = (NBUF - 1 + j) % NBUF
                bn = (b + 1) % NBUF
                wait_store(bn)
                start_gather(g + 1, bn)
                wait_gather(b)
                start_store(g, b)
            return carry

        lax.fori_loop(0, (n_groups - NBUF) // NBUF, body, 0)

        g_last = n_groups - 1
        wait_gather(g_last % NBUF)
        start_store(g_last, g_last % NBUF)
        for b in range(NBUF):
            wait_store(b)

    return kern


def kernel(inputs, weight):
    batch, hist = inputs.shape
    B = batch * hist
    idx = inputs.reshape(B // CHUNK, CHUNK).astype(jnp.int32)
    out = _build(B)(idx, weight)
    return out.reshape(batch, hist, EMB_DIM)

# --- scband reference (transcript-rebuilt; emitter-appended) ---
"""Pipeline reference for scband-embedding-79293686218810 (READ-ONLY COPY).

The authoritative reference and input builder live on the scoring server;
editing this copy changes nothing except your own understanding.
"""

import jax, jax.numpy as jnp
import numpy as np

EMB_NUM = 1000000
EMB_DIM = 64
BATCH = 16384
HIST = 50

def setup_inputs(seed: int = 0) -> dict:
    key = jax.random.key(seed)
    k1, k2 = jax.random.split(key)
    inputs = jax.random.randint(k1, (BATCH, HIST), 0, EMB_NUM, dtype=jnp.int64)
    weight = jax.random.normal(k2, (EMB_NUM, EMB_DIM), dtype=jnp.float32)
    # nn.Embedding with padding_idx=0 zeroes the padding row at init
    weight = weight.at[0].set(0.0)
    return {"inputs": inputs, "weight": weight}

def reference(inputs, weight):
    # Embedding lookup: gather rows of the table by index
    return jnp.take(weight, inputs, axis=0)

if __name__ == "__main__":
    import jax
    _d = setup_inputs()
    print(jax.jit(kernel)(*tuple(_d.values())))

</pallas_src>

<mosaic_0001>
#map = affine_map<(d0, d1) -> (0, 0)>
module attributes {stable_mosaic.version = 14 : i64} {
  func.func @kern(%arg0: i32, %arg1: i32, %arg2: memref<6400x128xi32, #tpu.memory_space<hbm>>, %arg3: memref<1000000x64xf32, #tpu.memory_space<hbm>>, %arg4: memref<819200x64xf32, #tpu.memory_space<hbm>>, %arg5: memref<200x128xi32, #tpu.memory_space<vmem>>, %arg6: memref<256x64xf32, #tpu.memory_space<vmem>>, %arg7: memref<256x64xf32, #tpu.memory_space<vmem>>, %arg8: memref<256x64xf32, #tpu.memory_space<vmem>>, %arg9: memref<256x64xf32, #tpu.memory_space<vmem>>, %arg10: memref<!tpu.dma_semaphore, #tpu.memory_space<semaphore_mem>>, %arg11: memref<!tpu.dma_semaphore, #tpu.memory_space<semaphore_mem>>, %arg12: memref<!tpu.dma_semaphore, #tpu.memory_space<semaphore_mem>>, %arg13: memref<!tpu.dma_semaphore, #tpu.memory_space<semaphore_mem>>, %arg14: memref<!tpu.dma_semaphore, #tpu.memory_space<semaphore_mem>>, %arg15: memref<!tpu.dma_semaphore, #tpu.memory_space<semaphore_mem>>, %arg16: memref<!tpu.dma_semaphore, #tpu.memory_space<semaphore_mem>>, %arg17: memref<!tpu.dma_semaphore, #tpu.memory_space<semaphore_mem>>) attributes {dimension_semantics = [#tpu.dimension_semantics<core_parallel>, #tpu.dimension_semantics<subcore_parallel>], iteration_bounds = array<i64: 2, 16>, scalar_prefetch = 0 : i64, scratch_operands = 13 : i64, tpu.core_type = #tpu.core_type<sc_vector_subcore>, window_params = [{transform_indices = #map}, {transform_indices = #map}, {transform_indices = #map}]} {
    %mul3A = arith.constant 2 : i32
    %mul3A_0 = arith.muli %arg1, %mul3A : i32
    %add3A = arith.addi %mul3A_0, %arg0 : i32
    %mul3A_1 = arith.constant 25600 : i32
    %mul3A_2 = arith.muli %add3A, %mul3A_1 : i32
    %mul3A_3 = arith.constant 200 : i32
    %mul3A_4 = arith.muli %add3A, %mul3A_3 : i32
    "tpu.region"() ({
      %run_scoped3A = tpu.sem_alloc : memref<!tpu.dma_semaphore, #tpu.memory_space<semaphore_mem>>
      %dma_start3A_208 = arith.constant 0 : i32
      %dma_start3A_209 = tpu.memref_slice %arg2[%mul3A_4, %dma_start3A_208] : memref<6400x128xi32, #tpu.memory_space<hbm>> -> memref<200x128xi32, #tpu.memory_space<hbm>>
      %dma_start3A_210 = arith.constant 0 : i32
      %dma_start3A_211 = tpu.memref_slice %arg2[%mul3A_4, %dma_start3A_210] : memref<6400x128xi32, #tpu.memory_space<hbm>> -> memref<200x128xi32, #tpu.memory_space<hbm>>
      tpu.enqueue_dma source(%dma_start3A_211 : memref<200x128xi32, #tpu.memory_space<hbm>>) target(%arg5 : memref<200x128xi32, #tpu.memory_space<vmem>>) target_semaphore(%run_scoped3A : memref<!tpu.dma_semaphore, #tpu.memory_space<semaphore_mem>>)
      %dma_wait3A_212 = arith.constant 0 : i32
      %dma_wait3A_213 = tpu.memref_slice %arg2[%mul3A_4, %dma_wait3A_212] : memref<6400x128xi32, #tpu.memory_space<hbm>> -> memref<200x128xi32, #tpu.memory_space<hbm>>
      %dma_wait3A_214 = arith.constant 0 : i32
      %dma_wait3A_215 = tpu.memref_slice %arg2[%mul3A_4, %dma_wait3A_214] : memref<6400x128xi32, #tpu.memory_space<hbm>> -> memref<200x128xi32, #tpu.memory_space<hbm>>
      tpu.wait_dma2 semaphore(%run_scoped3A : memref<!tpu.dma_semaphore, #tpu.memory_space<semaphore_mem>>) src(%dma_wait3A_215 : memref<200x128xi32, #tpu.memory_space<hbm>>) dst(%arg5 : memref<200x128xi32, #tpu.memory_space<vmem>>)
      tpu.yield
    }) : () -> ()
    %dma_start3A = arith.constant 0 : i32
    %dma_start3A_5 = arith.constant 0 : i32
    %dma_start3A_6 = arith.constant 0 : i32
    %dma_start3A_7 = tpu.memref_slice %arg6[%dma_start3A_5, %dma_start3A_6] : memref<256x64xf32, #tpu.memory_space<vmem>> -> memref<128x64xf32, #tpu.memory_space<vmem>>
    %dma_start3A_8 = arith.constant 0 : i32
    %dma_start3A_9 = tpu.memref_slice %arg5[%dma_start3A, %dma_start3A_8] : memref<200x128xi32, #tpu.memory_space<vmem>> -> memref<1x128xi32, #tpu.memory_space<vmem>>
    %dma_start3A_10 = tpu.memref_squeeze %dma_start3A_9 : memref<1x128xi32, #tpu.memory_space<vmem>> -> memref<128xi32, #tpu.memory_space<vmem>>
    %dma_start3A_11 = arith.constant 0 : i32
    %dma_start3A_12 = arith.constant 0 : i32
    %dma_start3A_13 = tpu.memref_slice %arg3[%dma_start3A_11, %dma_start3A_12] : memref<1000000x64xf32, #tpu.memory_space<hbm>> -> memref<1000000x64xf32, #tpu.memory_space<hbm>>
    tpu.enqueue_indirect_dma source(%dma_start3A_13 : memref<1000000x64xf32, #tpu.memory_space<hbm>>) target(%dma_start3A_7 : memref<128x64xf32, #tpu.memory_space<vmem>>) offsets(%dma_start3A_10 : memref<128xi32, #tpu.memory_space<vmem>>) semaphore(%arg10 : memref<!tpu.dma_semaphore, #tpu.memory_space<semaphore_mem>>)
    %dma_start3A_14 = arith.constant 1 : i32
    %dma_start3A_15 = arith.constant 128 : i32
    %dma_start3A_16 = arith.constant 0 : i32
    %dma_start3A_17 = tpu.memref_slice %arg6[%dma_start3A_15, %dma_start3A_16] : memref<256x64xf32, #tpu.memory_space<vmem>> -> memref<128x64xf32, #tpu.memory_space<vmem>>
    %dma_start3A_18 = arith.constant 0 : i32
    %dma_start3A_19 = tpu.memref_slice %arg5[%dma_start3A_14, %dma_start3A_18] : memref<200x128xi32, #tpu.memory_space<vmem>> -> memref<1x128xi32, #tpu.memory_space<vmem>>
    %dma_start3A_20 = tpu.memref_squeeze %dma_start3A_19 : memref<1x128xi32, #tpu.memory_space<vmem>> -> memref<128xi32, #tpu.memory_space<vmem>>
    %dma_start3A_21 = arith.constant 0 : i32
    %dma_start3A_22 = arith.constant 0 : i32
    %dma_start3A_23 = tpu.memref_slice %arg3[%dma_start3A_21, %dma_start3A_22] : memref<1000000x64xf32, #tpu.memory_space<hbm>> -> memref<1000000x64xf32, #tpu.memory_space<hbm>>
    tpu.enqueue_indirect_dma source(%dma_start3A_23 : memref<1000000x64xf32, #tpu.memory_space<hbm>>) target(%dma_start3A_17 : memref<128x64xf32, #tpu.memory_space<vmem>>) offsets(%dma_start3A_20 : memref<128xi32, #tpu.memory_space<vmem>>) semaphore(%arg10 : memref<!tpu.dma_semaphore, #tpu.memory_space<semaphore_mem>>)
    %dma_start3A_24 = arith.constant 2 : i32
    %dma_start3A_25 = arith.constant 0 : i32
    %dma_start3A_26 = arith.constant 0 : i32
    %dma_start3A_27 = tpu.memref_slice %arg7[%dma_start3A_25, %dma_start3A_26] : memref<256x64xf32, #tpu.memory_space<vmem>> -> memref<128x64xf32, #tpu.memory_space<vmem>>
    %dma_start3A_28 = arith.constant 0 : i32
    %dma_start3A_29 = tpu.memref_slice %arg5[%dma_start3A_24, %dma_start3A_28] : memref<200x128xi32, #tpu.memory_space<vmem>> -> memref<1x128xi32, #tpu.memory_space<vmem>>
    %dma_start3A_30 = tpu.memref_squeeze %dma_start3A_29 : memref<1x128xi32, #tpu.memory_space<vmem>> -> memref<128xi32, #tpu.memory_space<vmem>>
    %dma_start3A_31 = arith.constant 0 : i32
    %dma_start3A_32 = arith.constant 0 : i32
    %dma_start3A_33 = tpu.memref_slice %arg3[%dma_start3A_31, %dma_start3A_32] : memref<1000000x64xf32, #tpu.memory_space<hbm>> -> memref<1000000x64xf32, #tpu.memory_space<hbm>>
    tpu.enqueue_indirect_dma source(%dma_start3A_33 : memref<1000000x64xf32, #tpu.memory_space<hbm>>) target(%dma_start3A_27 : memref<128x64xf32, #tpu.memory_space<vmem>>) offsets(%dma_start3A_30 : memref<128xi32, #tpu.memory_space<vmem>>) semaphore(%arg11 : memref<!tpu.dma_semaphore, #tpu.memory_space<semaphore_mem>>)
    %dma_start3A_34 = arith.constant 3 : i32
    %dma_start3A_35 = arith.constant 128 : i32
    %dma_start3A_36 = arith.constant 0 : i32
    %dma_start3A_37 = tpu.memref_slice %arg7[%dma_start3A_35, %dma_start3A_36] : memref<256x64xf32, #tpu.memory_space<vmem>> -> memref<128x64xf32, #tpu.memory_space<vmem>>
    %dma_start3A_38 = arith.constant 0 : i32
    %dma_start3A_39 = tpu.memref_slice %arg5[%dma_start3A_34, %dma_start3A_38] : memref<200x128xi32, #tpu.memory_space<vmem>> -> memref<1x128xi32, #tpu.memory_space<vmem>>
    %dma_start3A_40 = tpu.memref_squeeze %dma_start3A_39 : memref<1x128xi32, #tpu.memory_space<vmem>> -> memref<128xi32, #tpu.memory_space<vmem>>
    %dma_start3A_41 = arith.constant 0 : i32
    %dma_start3A_42 = arith.constant 0 : i32
    %dma_start3A_43 = tpu.memref_slice %arg3[%dma_start3A_41, %dma_start3A_42] : memref<1000000x64xf32, #tpu.memory_space<hbm>> -> memref<1000000x64xf32, #tpu.memory_space<hbm>>
    tpu.enqueue_indirect_dma source(%dma_start3A_43 : memref<1000000x64xf32, #tpu.memory_space<hbm>>) target(%dma_start3A_37 : memref<128x64xf32, #tpu.memory_space<vmem>>) offsets(%dma_start3A_40 : memref<128xi32, #tpu.memory_space<vmem>>) semaphore(%arg11 : memref<!tpu.dma_semaphore, #tpu.memory_space<semaphore_mem>>)
    %dma_wait3A = arith.constant 0 : i32
    %dma_wait3A_44 = arith.constant 0 : i32
    %dma_wait3A_45 = arith.constant 0 : i32
    %dma_wait3A_46 = tpu.memref_slice %arg6[%dma_wait3A_44, %dma_wait3A_45] : memref<256x64xf32, #tpu.memory_space<vmem>> -> memref<128x64xf32, #tpu.memory_space<vmem>>
    %dma_wait3A_47 = arith.constant 0 : i32
    %dma_wait3A_48 = tpu.memref_slice %arg5[%dma_wait3A, %dma_wait3A_47] : memref<200x128xi32, #tpu.memory_space<vmem>> -> memref<1x128xi32, #tpu.memory_space<vmem>>
    %dma_wait3A_49 = tpu.memref_squeeze %dma_wait3A_48 : memref<1x128xi32, #tpu.memory_space<vmem>> -> memref<128xi32, #tpu.memory_space<vmem>>
    %dma_wait3A_50 = arith.constant 0 : i32
    %dma_wait3A_51 = arith.constant 0 : i32
    %dma_wait3A_52 = tpu.memref_slice %arg3[%dma_wait3A_50, %dma_wait3A_51] : memref<1000000x64xf32, #tpu.memory_space<hbm>> -> memref<1000000x64xf32, #tpu.memory_space<hbm>>
    tpu.wait_indirect_dma semaphore(%arg10 : memref<!tpu.dma_semaphore, #tpu.memory_space<semaphore_mem>>) src(%dma_wait3A_52 : memref<1000000x64xf32, #tpu.memory_space<hbm>>) dst(%dma_wait3A_46 : memref<128x64xf32, #tpu.memory_space<vmem>>)
    %dma_wait3A_53 = arith.constant 1 : i32
    %dma_wait3A_54 = arith.constant 128 : i32
    %dma_wait3A_55 = arith.constant 0 : i32
    %dma_wait3A_56 = tpu.memref_slice %arg6[%dma_wait3A_54, %dma_wait3A_55] : memref<256x64xf32, #tpu.memory_space<vmem>> -> memref<128x64xf32, #tpu.memory_space<vmem>>
    %dma_wait3A_57 = arith.constant 0 : i32
    %dma_wait3A_58 = tpu.memref_slice %arg5[%dma_wait3A_53, %dma_wait3A_57] : memref<200x128xi32, #tpu.memory_space<vmem>> -> memref<1x128xi32, #tpu.memory_space<vmem>>
    %dma_wait3A_59 = tpu.memref_squeeze %dma_wait3A_58 : memref<1x128xi32, #tpu.memory_space<vmem>> -> memref<128xi32, #tpu.memory_space<vmem>>
    %dma_wait3A_60 = arith.constant 0 : i32
    %dma_wait3A_61 = arith.constant 0 : i32
    %dma_wait3A_62 = tpu.memref_slice %arg3[%dma_wait3A_60, %dma_wait3A_61] : memref<1000000x64xf32, #tpu.memory_space<hbm>> -> memref<1000000x64xf32, #tpu.memory_space<hbm>>
    tpu.wait_indirect_dma semaphore(%arg10 : memref<!tpu.dma_semaphore, #tpu.memory_space<semaphore_mem>>) src(%dma_wait3A_62 : memref<1000000x64xf32, #tpu.memory_space<hbm>>) dst(%dma_wait3A_56 : memref<128x64xf32, #tpu.memory_space<vmem>>)
    %add3A_63 = arith.constant 0 : i32
    %add3A_64 = arith.addi %mul3A_2, %add3A_63 : i32
    %dma_start3A_65 = arith.constant 0 : i32
    %dma_start3A_66 = tpu.memref_slice %arg4[%add3A_64, %dma_start3A_65] : memref<819200x64xf32, #tpu.memory_space<hbm>> -> memref<256x64xf32, #tpu.memory_space<hbm>>
    %dma_start3A_67 = arith.constant 0 : i32
    %dma_start3A_68 = tpu.memref_slice %arg4[%add3A_64, %dma_start3A_67] : memref<819200x64xf32, #tpu.memory_space<hbm>> -> memref<256x64xf32, #tpu.memory_space<hbm>>
    tpu.enqueue_dma source(%arg6 : memref<256x64xf32, #tpu.memory_space<vmem>>) target(%dma_start3A_68 : memref<256x64xf32, #tpu.memory_space<hbm>>) target_semaphore(%arg14 : memref<!tpu.dma_semaphore, #tpu.memory_space<semaphore_mem>>)
    %dma_start3A_69 = arith.constant 4 : i32
    %dma_start3A_70 = arith.constant 0 : i32
    %dma_start3A_71 = arith.constant 0 : i32
    %dma_start3A_72 = tpu.memref_slice %arg8[%dma_start3A_70, %dma_start3A_71] : memref<256x64xf32, #tpu.memory_space<vmem>> -> memref<128x64xf32, #tpu.memory_space<vmem>>
    %dma_start3A_73 = arith.constant 0 : i32
    %dma_start3A_74 = tpu.memref_slice %arg5[%dma_start3A_69, %dma_start3A_73] : memref<200x128xi32, #tpu.memory_space<vmem>> -> memref<1x128xi32, #tpu.memory_space<vmem>>
    %dma_start3A_75 = tpu.memref_squeeze %dma_start3A_74 : memref<1x128xi32, #tpu.memory_space<vmem>> -> memref<128xi32, #tpu.memory_space<vmem>>
    %dma_start3A_76 = arith.constant 0 : i32
    %dma_start3A_77 = arith.constant 0 : i32
    %dma_start3A_78 = tpu.memref_slice %arg3[%dma_start3A_76, %dma_start3A_77] : memref<1000000x64xf32, #tpu.memory_space<hbm>> -> memref<1000000x64xf32, #tpu.memory_space<hbm>>
    tpu.enqueue_indirect_dma source(%dma_start3A_78 : memref<1000000x64xf32, #tpu.memory_space<hbm>>) target(%dma_start3A_72 : memref<128x64xf32, #tpu.memory_space<vmem>>) offsets(%dma_start3A_75 : memref<128xi32, #tpu.memory_space<vmem>>) semaphore(%arg12 : memref<!tpu.dma_semaphore, #tpu.memory_space<semaphore_mem>>)
    %dma_start3A_79 = arith.constant 5 : i32
    %dma_start3A_80 = arith.constant 128 : i32
    %dma_start3A_81 = arith.constant 0 : i32
    %dma_start3A_82 = tpu.memref_slice %arg8[%dma_start3A_80, %dma_start3A_81] : memref<256x64xf32, #tpu.memory_space<vmem>> -> memref<128x64xf32, #tpu.memory_space<vmem>>
    %dma_start3A_83 = arith.constant 0 : i32
    %dma_start3A_84 = tpu.memref_slice %arg5[%dma_start3A_79, %dma_start3A_83] : memref<200x128xi32, #tpu.memory_space<vmem>> -> memref<1x128xi32, #tpu.memory_space<vmem>>
    %dma_start3A_85 = tpu.memref_squeeze %dma_start3A_84 : memref<1x128xi32, #tpu.memory_space<vmem>> -> memref<128xi32, #tpu.memory_space<vmem>>
    %dma_start3A_86 = arith.constant 0 : i32
    %dma_start3A_87 = arith.constant 0 : i32
    %dma_start3A_88 = tpu.memref_slice %arg3[%dma_start3A_86, %dma_start3A_87] : memref<1000000x64xf32, #tpu.memory_space<hbm>> -> memref<1000000x64xf32, #tpu.memory_space<hbm>>
    tpu.enqueue_indirect_dma source(%dma_start3A_88 : memref<1000000x64xf32, #tpu.memory_space<hbm>>) target(%dma_start3A_82 : memref<128x64xf32, #tpu.memory_space<vmem>>) offsets(%dma_start3A_85 : memref<128xi32, #tpu.memory_space<vmem>>) semaphore(%arg12 : memref<!tpu.dma_semaphore, #tpu.memory_space<semaphore_mem>>)
    %dma_wait3A_89 = arith.constant 0 : i32
    %dma_wait3A_90 = arith.constant 0 : i32
    %dma_wait3A_91 = arith.constant 0 : i32
    %dma_wait3A_92 = tpu.memref_slice %arg7[%dma_wait3A_90, %dma_wait3A_91] : memref<256x64xf32, #tpu.memory_space<vmem>> -> memref<128x64xf32, #tpu.memory_space<vmem>>
    %dma_wait3A_93 = arith.constant 0 : i32
    %dma_wait3A_94 = tpu.memref_slice %arg5[%dma_wait3A_89, %dma_wait3A_93] : memref<200x128xi32, #tpu.memory_space<vmem>> -> memref<1x128xi32, #tpu.memory_space<vmem>>
    %dma_wait3A_95 = tpu.memref_squeeze %dma_wait3A_94 : memref<1x128xi32, #tpu.memory_space<vmem>> -> memref<128xi32, #tpu.memory_space<vmem>>
    %dma_wait3A_96 = arith.constant 0 : i32
    %dma_wait3A_97 = arith.constant 0 : i32
    %dma_wait3A_98 = tpu.memref_slice %arg3[%dma_wait3A_96, %dma_wait3A_97] : memref<1000000x64xf32, #tpu.memory_space<hbm>> -> memref<1000000x64xf32, #tpu.memory_space<hbm>>
    tpu.wait_indirect_dma semaphore(%arg11 : memref<!tpu.dma_semaphore, #tpu.memory_space<semaphore_mem>>) src(%dma_wait3A_98 : memref<1000000x64xf32, #tpu.memory_space<hbm>>) dst(%dma_wait3A_92 : memref<128x64xf32, #tpu.memory_space<vmem>>)
    %dma_wait3A_99 = arith.constant 1 : i32
    %dma_wait3A_100 = arith.constant 128 : i32
    %dma_wait3A_101 = arith.constant 0 : i32
    %dma_wait3A_102 = tpu.memref_slice %arg7[%dma_wait3A_100, %dma_wait3A_101] : memref<256x64xf32, #tpu.memory_space<vmem>> -> memref<128x64xf32, #tpu.memory_space<vmem>>
    %dma_wait3A_103 = arith.constant 0 : i32
    %dma_wait3A_104 = tpu.memref_slice %arg5[%dma_wait3A_99, %dma_wait3A_103] : memref<200x128xi32, #tpu.memory_space<vmem>> -> memref<1x128xi32, #tpu.memory_space<vmem>>
    %dma_wait3A_105 = tpu.memref_squeeze %dma_wait3A_104 : memref<1x128xi32, #tpu.memory_space<vmem>> -> memref<128xi32, #tpu.memory_space<vmem>>
    %dma_wait3A_106 = arith.constant 0 : i32
    %dma_wait3A_107 = arith.constant 0 : i32
    %dma_wait3A_108 = tpu.memref_slice %arg3[%dma_wait3A_106, %dma_wait3A_107] : memref<1000000x64xf32, #tpu.memory_space<hbm>> -> memref<1000000x64xf32, #tpu.memory_space<hbm>>
    tpu.wait_indirect_dma semaphore(%arg11 : memref<!tpu.dma_semaphore, #tpu.memory_space<semaphore_mem>>) src(%dma_wait3A_108 : memref<1000000x64xf32, #tpu.memory_space<hbm>>) dst(%dma_wait3A_102 : memref<128x64xf32, #tpu.memory_space<vmem>>)
    %add3A_109 = arith.constant 256 : i32
    %add3A_110 = arith.addi %mul3A_2, %add3A_109 : i32
    %dma_start3A_111 = arith.constant 0 : i32
    %dma_start3A_112 = tpu.memref_slice %arg4[%add3A_110, %dma_start3A_111] : memref<819200x64xf32, #tpu.memory_space<hbm>> -> memref<256x64xf32, #tpu.memory_space<hbm>>
    %dma_start3A_113 = arith.constant 0 : i32
    %dma_start3A_114 = tpu.memref_slice %arg4[%add3A_110, %dma_start3A_113] : memref<819200x64xf32, #tpu.memory_space<hbm>> -> memref<256x64xf32, #tpu.memory_space<hbm>>
    tpu.enqueue_dma source(%arg7 : memref<256x64xf32, #tpu.memory_space<vmem>>) target(%dma_start3A_114 : memref<256x64xf32, #tpu.memory_space<hbm>>) target_semaphore(%arg15 : memref<!tpu.dma_semaphore, #tpu.memory_space<semaphore_mem>>)
    %dma_start3A_115 = arith.constant 6 : i32
    %dma_start3A_116 = arith.constant 0 : i32
    %dma_start3A_117 = arith.constant 0 : i32
    %dma_start3A_118 = tpu.memref_slice %arg9[%dma_start3A_116, %dma_start3A_117] : memref<256x64xf32, #tpu.memory_space<vmem>> -> memref<128x64xf32, #tpu.memory_space<vmem>>
    %dma_start3A_119 = arith.constant 0 : i32
    %dma_start3A_120 = tpu.memref_slice %arg5[%dma_start3A_115, %dma_start3A_119] : memref<200x128xi32, #tpu.memory_space<vmem>> -> memref<1x128xi32, #tpu.memory_space<vmem>>
    %dma_start3A_121 = tpu.memref_squeeze %dma_start3A_120 : memref<1x128xi32, #tpu.memory_space<vmem>> -> memref<128xi32, #tpu.memory_space<vmem>>
    %dma_start3A_122 = arith.constant 0 : i32
    %dma_start3A_123 = arith.constant 0 : i32
    %dma_start3A_124 = tpu.memref_slice %arg3[%dma_start3A_122, %dma_start3A_123] : memref<1000000x64xf32, #tpu.memory_space<hbm>> -> memref<1000000x64xf32, #tpu.memory_space<hbm>>
    tpu.enqueue_indirect_dma source(%dma_start3A_124 : memref<1000000x64xf32, #tpu.memory_space<hbm>>) target(%dma_start3A_118 : memref<128x64xf32, #tpu.memory_space<vmem>>) offsets(%dma_start3A_121 : memref<128xi32, #tpu.memory_space<vmem>>) semaphore(%arg13 : memref<!tpu.dma_semaphore, #tpu.memory_space<semaphore_mem>>)
    %dma_start3A_125 = arith.constant 7 : i32
    %dma_start3A_126 = arith.constant 128 : i32
    %dma_start3A_127 = arith.constant 0 : i32
    %dma_start3A_128 = tpu.memref_slice %arg9[%dma_start3A_126, %dma_start3A_127] : memref<256x64xf32, #tpu.memory_space<vmem>> -> memref<128x64xf32, #tpu.memory_space<vmem>>
    %dma_start3A_129 = arith.constant 0 : i32
    %dma_start3A_130 = tpu.memref_slice %arg5[%dma_start3A_125, %dma_start3A_129] : memref<200x128xi32, #tpu.memory_space<vmem>> -> memref<1x128xi32, #tpu.memory_space<vmem>>
    %dma_start3A_131 = tpu.memref_squeeze %dma_start3A_130 : memref<1x128xi32, #tpu.memory_space<vmem>> -> memref<128xi32, #tpu.memory_space<vmem>>
    %dma_start3A_132 = arith.constant 0 : i32
    %dma_start3A_133 = arith.constant 0 : i32
    %dma_start3A_134 = tpu.memref_slice %arg3[%dma_start3A_132, %dma_start3A_133] : memref<1000000x64xf32, #tpu.memory_space<hbm>> -> memref<1000000x64xf32, #tpu.memory_space<hbm>>
    tpu.enqueue_indirect_dma source(%dma_start3A_134 : memref<1000000x64xf32, #tpu.memory_space<hbm>>) target(%dma_start3A_128 : memref<128x64xf32, #tpu.memory_space<vmem>>) offsets(%dma_start3A_131 : memref<128xi32, #tpu.memory_space<vmem>>) semaphore(%arg13 : memref<!tpu.dma_semaphore, #tpu.memory_space<semaphore_mem>>)
    %dma_wait3A_135 = arith.constant 0 : i32
    %dma_wait3A_136 = arith.constant 0 : i32
    %dma_wait3A_137 = arith.constant 0 : i32
    %dma_wait3A_138 = tpu.memref_slice %arg8[%dma_wait3A_136, %dma_wait3A_137] : memref<256x64xf32, #tpu.memory_space<vmem>> -> memref<128x64xf32, #tpu.memory_space<vmem>>
    %dma_wait3A_139 = arith.constant 0 : i32
    %dma_wait3A_140 = tpu.memref_slice %arg5[%dma_wait3A_135, %dma_wait3A_139] : memref<200x128xi32, #tpu.memory_space<vmem>> -> memref<1x128xi32, #tpu.memory_space<vmem>>
    %dma_wait3A_141 = tpu.memref_squeeze %dma_wait3A_140 : memref<1x128xi32, #tpu.memory_space<vmem>> -> memref<128xi32, #tpu.memory_space<vmem>>
    %dma_wait3A_142 = arith.constant 0 : i32
    %dma_wait3A_143 = arith.constant 0 : i32
    %dma_wait3A_144 = tpu.memref_slice %arg3[%dma_wait3A_142, %dma_wait3A_143] : memref<1000000x64xf32, #tpu.memory_space<hbm>> -> memref<1000000x64xf32, #tpu.memory_space<hbm>>
    tpu.wait_indirect_dma semaphore(%arg12 : memref<!tpu.dma_semaphore, #tpu.memory_space<semaphore_mem>>) src(%dma_wait3A_144 : memref<1000000x64xf32, #tpu.memory_space<hbm>>) dst(%dma_wait3A_138 : memref<128x64xf32, #tpu.memory_space<vmem>>)
    %dma_wait3A_145 = arith.constant 1 : i32
    %dma_wait3A_146 = arith.constant 128 : i32
    %dma_wait3A_147 = arith.constant 0 : i32
    %dma_wait3A_148 = tpu.memref_slice %arg8[%dma_wait3A_146, %dma_wait3A_147] : memref<256x64xf32, #tpu.memory_space<vmem>> -> memref<128x64xf32, #tpu.memory_space<vmem>>
    %dma_wait3A_149 = arith.constant 0 : i32
    %dma_wait3A_150 = tpu.memref_slice %arg5[%dma_wait3A_145, %dma_wait3A_149] : memref<200x128xi32, #tpu.memory_space<vmem>> -> memref<1x128xi32, #tpu.memory_space<vmem>>
    %dma_wait3A_151 = tpu.memref_squeeze %dma_wait3A_150 : memref<1x128xi32, #tpu.memory_space<vmem>> -> memref<128xi32, #tpu.memory_space<vmem>>
    %dma_wait3A_152 = arith.constant 0 : i32
    %dma_wait3A_153 = arith.constant 0 : i32
    %dma_wait3A_154 = tpu.memref_slice %arg3[%dma_wait3A_152, %dma_wait3A_153] : memref<1000000x64xf32, #tpu.memory_space<hbm>> -> memref<1000000x64xf32, #tpu.memory_space<hbm>>
    tpu.wait_indirect_dma semaphore(%arg12 : memref<!tpu.dma_semaphore, #tpu.memory_space<semaphore_mem>>) src(%dma_wait3A_154 : memref<1000000x64xf32, #tpu.memory_space<hbm>>) dst(%dma_wait3A_148 : memref<128x64xf32, #tpu.memory_space<vmem>>)
    %add3A_155 = arith.constant 512 : i32
    %add3A_156 = arith.addi %mul3A_2, %add3A_155 : i32
    %dma_start3A_157 = arith.constant 0 : i32
    %dma_start3A_158 = tpu.memref_slice %arg4[%add3A_156, %dma_start3A_157] : memref<819200x64xf32, #tpu.memory_space<hbm>> -> memref<256x64xf32, #tpu.memory_space<hbm>>
    %dma_start3A_159 = arith.constant 0 : i32
    %dma_start3A_160 = tpu.memref_slice %arg4[%add3A_156, %dma_start3A_159] : memref<819200x64xf32, #tpu.memory_space<hbm>> -> memref<256x64xf32, #tpu.memory_space<hbm>>
    tpu.enqueue_dma source(%arg8 : memref<256x64xf32, #tpu.memory_space<vmem>>) target(%dma_start3A_160 : memref<256x64xf32, #tpu.memory_space<hbm>>) target_semaphore(%arg16 : memref<!tpu.dma_semaphore, #tpu.memory_space<semaphore_mem>>)
    %scan3A = arith.constant 0 : i32
    %scan3A_161 = arith.constant 0 : i32
    %scan3A_162 = arith.constant 24 : i32
    %scan3A_163 = arith.addi %scan3A_161, %scan3A_162 : i32
    %scan3A_164 = arith.constant 1 : i32
    scf.for %scan3A_208 = %scan3A_161 to %scan3A_163 step %scan3A_164  : i32 {
      %mul3A_209 = arith.constant 4 : i32
      %mul3A_210 = arith.muli %scan3A_208, %mul3A_209 : i32
      %add3A_211 = arith.constant 3 : i32
      %add3A_212 = arith.addi %add3A_211, %mul3A_210 : i32
      %add3A_213 = arith.constant 0 : i32
      %add3A_214 = arith.addi %add3A_212, %add3A_213 : i32
      %dma_wait3A_215 = arith.constant 0 : i32
      %dma_wait3A_216 = tpu.memref_slice %arg4[%mul3A_2, %dma_wait3A_215] : memref<819200x64xf32, #tpu.memory_space<hbm>> -> memref<256x64xf32, #tpu.memory_space<hbm>>
      %dma_wait3A_217 = arith.constant 0 : i32
      %dma_wait3A_218 = tpu.memref_slice %arg4[%mul3A_2, %dma_wait3A_217] : memref<819200x64xf32, #tpu.memory_space<hbm>> -> memref<256x64xf32, #tpu.memory_space<hbm>>
      tpu.wait_dma2 semaphore(%arg14 : memref<!tpu.dma_semaphore, #tpu.memory_space<semaphore_mem>>) src(%arg6 : memref<256x64xf32, #tpu.memory_space<vmem>>) dst(%dma_wait3A_218 : memref<256x64xf32, #tpu.memory_space<hbm>>)
      %add3A_219 = arith.constant 1 : i32
      %add3A_220 = arith.addi %add3A_214, %add3A_219 : i32
      %mul3A_221 = arith.constant 2 : i32
      %mul3A_222 = arith.muli %add3A_220, %mul3A_221 : i32
      %add3A_223 = arith.constant 0 : i32
      %add3A_224 = arith.addi %mul3A_222, %add3A_223 : i32
      %dma_start3A_225 = arith.constant 0 : i32
      %dma_start3A_226 = arith.constant 0 : i32
      %dma_start3A_227 = tpu.memref_slice %arg6[%dma_start3A_225, %dma_start3A_226] : memref<256x64xf32, #tpu.memory_space<vmem>> -> memref<128x64xf32, #tpu.memory_space<vmem>>
      %dma_start3A_228 = arith.constant 0 : i32
      %dma_start3A_229 = tpu.memref_slice %arg5[%add3A_224, %dma_start3A_228] : memref<200x128xi32, #tpu.memory_space<vmem>> -> memref<1x128xi32, #tpu.memory_space<vmem>>
      %dma_start3A_230 = tpu.memref_squeeze %dma_start3A_229 : memref<1x128xi32, #tpu.memory_space<vmem>> -> memref<128xi32, #tpu.memory_space<vmem>>
      %dma_start3A_231 = arith.constant 0 : i32
      %dma_start3A_232 = arith.constant 0 : i32
      %dma_start3A_233 = tpu.memref_slice %arg3[%dma_start3A_231, %dma_start3A_232] : memref<1000000x64xf32, #tpu.memory_space<hbm>> -> memref<1000000x64xf32, #tpu.memory_space<hbm>>
      tpu.enqueue_indirect_dma source(%dma_start3A_233 : memref<1000000x64xf32, #tpu.memory_space<hbm>>) target(%dma_start3A_227 : memref<128x64xf32, #tpu.memory_space<vmem>>) offsets(%dma_start3A_230 : memref<128xi32, #tpu.memory_space<vmem>>) semaphore(%arg10 : memref<!tpu.dma_semaphore, #tpu.memory_space<semaphore_mem>>)
      %mul3A_234 = arith.constant 2 : i32
      %mul3A_235 = arith.muli %add3A_220, %mul3A_234 : i32
      %add3A_236 = arith.constant 1 : i32
      %add3A_237 = arith.addi %mul3A_235, %add3A_236 : i32
      %dma_start3A_238 = arith.constant 128 : i32
      %dma_start3A_239 = arith.constant 0 : i32
      %dma_start3A_240 = tpu.memref_slice %arg6[%dma_start3A_238, %dma_start3A_239] : memref<256x64xf32, #tpu.memory_space<vmem>> -> memref<128x64xf32, #tpu.memory_space<vmem>>
      %dma_start3A_241 = arith.constant 0 : i32
      %dma_start3A_242 = tpu.memref_slice %arg5[%add3A_237, %dma_start3A_241] : memref<200x128xi32, #tpu.memory_space<vmem>> -> memref<1x128xi32, #tpu.memory_space<vmem>>
      %dma_start3A_243 = tpu.memref_squeeze %dma_start3A_242 : memref<1x128xi32, #tpu.memory_space<vmem>> -> memref<128xi32, #tpu.memory_space<vmem>>
      %dma_start3A_244 = arith.constant 0 : i32
      %dma_start3A_245 = arith.constant 0 : i32
      %dma_start3A_246 = tpu.memref_slice %arg3[%dma_start3A_244, %dma_start3A_245] : memref<1000000x64xf32, #tpu.memory_space<hbm>> -> memref<1000000x64xf32, #tpu.memory_space<hbm>>
      tpu.enqueue_indirect_dma source(%dma_start3A_246 : memref<1000000x64xf32, #tpu.memory_space<hbm>>) target(%dma_start3A_240 : memref<128x64xf32, #tpu.memory_space<vmem>>) offsets(%dma_start3A_243 : memref<128xi32, #tpu.memory_space<vmem>>) semaphore(%arg10 : memref<!tpu.dma_semaphore, #tpu.memory_space<semaphore_mem>>)
      %dma_wait3A_247 = arith.constant 0 : i32
      %dma_wait3A_248 = arith.constant 0 : i32
      %dma_wait3A_249 = arith.constant 0 : i32
      %dma_wait3A_250 = tpu.memref_slice %arg9[%dma_wait3A_248, %dma_wait3A_249] : memref<256x64xf32, #tpu.memory_space<vmem>> -> memref<128x64xf32, #tpu.memory_space<vmem>>
      %dma_wait3A_251 = arith.constant 0 : i32
      %dma_wait3A_252 = tpu.memref_slice %arg5[%dma_wait3A_247, %dma_wait3A_251] : memref<200x128xi32, #tpu.memory_space<vmem>> -> memref<1x128xi32, #tpu.memory_space<vmem>>
      %dma_wait3A_253 = tpu.memref_squeeze %dma_wait3A_252 : memref<1x128xi32, #tpu.memory_space<vmem>> -> memref<128xi32, #tpu.memory_space<vmem>>
      %dma_wait3A_254 = arith.constant 0 : i32
      %dma_wait3A_255 = arith.constant 0 : i32
      %dma_wait3A_256 = tpu.memref_slice %arg3[%dma_wait3A_254, %dma_wait3A_255] : memref<1000000x64xf32, #tpu.memory_space<hbm>> -> memref<1000000x64xf32, #tpu.memory_space<hbm>>
      tpu.wait_indirect_dma semaphore(%arg13 : memref<!tpu.dma_semaphore, #tpu.memory_space<semaphore_mem>>) src(%dma_wait3A_256 : memref<1000000x64xf32, #tpu.memory_space<hbm>>) dst(%dma_wait3A_250 : memref<128x64xf32, #tpu.memory_space<vmem>>)
      %dma_wait3A_257 = arith.constant 1 : i32
      %dma_wait3A_258 = arith.constant 128 : i32
      %dma_wait3A_259 = arith.constant 0 : i32
      %dma_wait3A_260 = tpu.memref_slice %arg9[%dma_wait3A_258, %dma_wait3A_259] : memref<256x64xf32, #tpu.memory_space<vmem>> -> memref<128x64xf32, #tpu.memory_space<vmem>>
      %dma_wait3A_261 = arith.constant 0 : i32
      %dma_wait3A_262 = tpu.memref_slice %arg5[%dma_wait3A_257, %dma_wait3A_261] : memref<200x128xi32, #tpu.memory_space<vmem>> -> memref<1x128xi32, #tpu.memory_space<vmem>>
      %dma_wait3A_263 = tpu.memref_squeeze %dma_wait3A_262 : memref<1x128xi32, #tpu.memory_space<vmem>> -> memref<128xi32, #tpu.memory_space<vmem>>
      %dma_wait3A_264 = arith.constant 0 : i32
      %dma_wait3A_265 = arith.constant 0 : i32
      %dma_wait3A_266 = tpu.memref_slice %arg3[%dma_wait3A_264, %dma_wait3A_265] : memref<1000000x64xf32, #tpu.memory_space<hbm>> -> memref<1000000x64xf32, #tpu.memory_space<hbm>>
      tpu.wait_indirect_dma semaphore(%arg13 : memref<!tpu.dma_semaphore, #tpu.memory_space<semaphore_mem>>) src(%dma_wait3A_266 : memref<1000000x64xf32, #tpu.memory_space<hbm>>) dst(%dma_wait3A_260 : memref<128x64xf32, #tpu.memory_space<vmem>>)
      %mul3A_267 = arith.constant 256 : i32
      %mul3A_268 = arith.muli %add3A_214, %mul3A_267 : i32
      %add3A_269 = arith.addi %mul3A_2, %mul3A_268 : i32
      %dma_start3A_270 = arith.constant 0 : i32
      %dma_start3A_271 = tpu.memref_slice %arg4[%add3A_269, %dma_start3A_270] : memref<819200x64xf32, #tpu.memory_space<hbm>> -> memref<256x64xf32, #tpu.memory_space<hbm>>
      %dma_start3A_272 = arith.constant 0 : i32
      %dma_start3A_273 = tpu.memref_slice %arg4[%add3A_269, %dma_start3A_272] : memref<819200x64xf32, #tpu.memory_space<hbm>> -> memref<256x64xf32, #tpu.memory_space<hbm>>
      tpu.enqueue_dma source(%arg9 : memref<256x64xf32, #tpu.memory_space<vmem>>) target(%dma_start3A_273 : memref<256x64xf32, #tpu.memory_space<hbm>>) target_semaphore(%arg17 : memref<!tpu.dma_semaphore, #tpu.memory_space<semaphore_mem>>)
      %mul3A_274 = arith.constant 4 : i32
      %mul3A_275 = arith.muli %scan3A_208, %mul3A_274 : i32
      %add3A_276 = arith.constant 3 : i32
      %add3A_277 = arith.addi %add3A_276, %mul3A_275 : i32
      %add3A_278 = arith.constant 1 : i32
      %add3A_279 = arith.addi %add3A_277, %add3A_278 : i32
      %dma_wait3A_280 = arith.constant 0 : i32
      %dma_wait3A_281 = tpu.memref_slice %arg4[%mul3A_2, %dma_wait3A_280] : memref<819200x64xf32, #tpu.memory_space<hbm>> -> memref<256x64xf32, #tpu.memory_space<hbm>>
      %dma_wait3A_282 = arith.constant 0 : i32
      %dma_wait3A_283 = tpu.memref_slice %arg4[%mul3A_2, %dma_wait3A_282] : memref<819200x64xf32, #tpu.memory_space<hbm>> -> memref<256x64xf32, #tpu.memory_space<hbm>>
      tpu.wait_dma2 semaphore(%arg15 : memref<!tpu.dma_semaphore, #tpu.memory_space<semaphore_mem>>) src(%arg7 : memref<256x64xf32, #tpu.memory_space<vmem>>) dst(%dma_wait3A_283 : memref<256x64xf32, #tpu.memory_space<hbm>>)
      %add3A_284 = arith.constant 1 : i32
      %add3A_285 = arith.addi %add3A_279, %add3A_284 : i32
      %mul3A_286 = arith.constant 2 : i32
      %mul3A_287 = arith.muli %add3A_285, %mul3A_286 : i32
      %add3A_288 = arith.constant 0 : i32
      %add3A_289 = arith.addi %mul3A_287, %add3A_288 : i32
      %dma_start3A_290 = arith.constant 0 : i32
      %dma_start3A_291 = arith.constant 0 : i32
      %dma_start3A_292 = tpu.memref_slice %arg7[%dma_start3A_290, %dma_start3A_291] : memref<256x64xf32, #tpu.memory_space<vmem>> -> memref<128x64xf32, #tpu.memory_space<vmem>>
      %dma_start3A_293 = arith.constant 0 : i32
      %dma_start3A_294 = tpu.memref_slice %arg5[%add3A_289, %dma_start3A_293] : memref<200x128xi32, #tpu.memory_space<vmem>> -> memref<1x128xi32, #tpu.memory_space<vmem>>
      %dma_start3A_295 = tpu.memref_squeeze %dma_start3A_294 : memref<1x128xi32, #tpu.memory_space<vmem>> -> memref<128xi32, #tpu.memory_space<vmem>>
      %dma_start3A_296 = arith.constant 0 : i32
      %dma_start3A_297 = arith.constant 0 : i32
      %dma_start3A_298 = tpu.memref_slice %arg3[%dma_start3A_296, %dma_start3A_297] : memref<1000000x64xf32, #tpu.memory_space<hbm>> -> memref<1000000x64xf32, #tpu.memory_space<hbm>>
      tpu.enqueue_indirect_dma source(%dma_start3A_298 : memref<1000000x64xf32, #tpu.memory_space<hbm>>) target(%dma_start3A_292 : memref<128x64xf32, #tpu.memory_space<vmem>>) offsets(%dma_start3A_295 : memref<128xi32, #tpu.memory_space<vmem>>) semaphore(%arg11 : memref<!tpu.dma_semaphore, #tpu.memory_space<semaphore_mem>>)
      %mul3A_299 = arith.constant 2 : i32
      %mul3A_300 = arith.muli %add3A_285, %mul3A_299 : i32
      %add3A_301 = arith.constant 1 : i32
      %add3A_302 = arith.addi %mul3A_300, %add3A_301 : i32
      %dma_start3A_303 = arith.constant 128 : i32
      %dma_start3A_304 = arith.constant 0 : i32
      %dma_start3A_305 = tpu.memref_slice %arg7[%dma_start3A_303, %dma_start3A_304] : memref<256x64xf32, #tpu.memory_space<vmem>> -> memref<128x64xf32, #tpu.memory_space<vmem>>
      %dma_start3A_306 = arith.constant 0 : i32
      %dma_start3A_307 = tpu.memref_slice %arg5[%add3A_302, %dma_start3A_306] : memref<200x128xi32, #tpu.memory_space<vmem>> -> memref<1x128xi32, #tpu.memory_space<vmem>>
      %dma_start3A_308 = tpu.memref_squeeze %dma_start3A_307 : memref<1x128xi32, #tpu.memory_space<vmem>> -> memref<128xi32, #tpu.memory_space<vmem>>
      %dma_start3A_309 = arith.constant 0 : i32
      %dma_start3A_310 = arith.constant 0 : i32
      %dma_start3A_311 = tpu.memref_slice %arg3[%dma_start3A_309, %dma_start3A_310] : memref<1000000x64xf32, #tpu.memory_space<hbm>> -> memref<1000000x64xf32, #tpu.memory_space<hbm>>
      tpu.enqueue_indirect_dma source(%dma_start3A_311 : memref<1000000x64xf32, #tpu.memory_space<hbm>>) target(%dma_start3A_305 : memref<128x64xf32, #tpu.memory_space<vmem>>) offsets(%dma_start3A_308 : memref<128xi32, #tpu.memory_space<vmem>>) semaphore(%arg11 : memref<!tpu.dma_semaphore, #tpu.memory_space<semaphore_mem>>)
      %dma_wait3A_312 = arith.constant 0 : i32
      %dma_wait3A_313 = arith.constant 0 : i32
      %dma_wait3A_314 = arith.constant 0 : i32
      %dma_wait3A_315 = tpu.memref_slice %arg6[%dma_wait3A_313, %dma_wait3A_314] : memref<256x64xf32, #tpu.memory_space<vmem>> -> memref<128x64xf32, #tpu.memory_space<vmem>>
      %dma_wait3A_316 = arith.constant 0 : i32
      %dma_wait3A_317 = tpu.memref_slice %arg5[%dma_wait3A_312, %dma_wait3A_316] : memref<200x128xi32, #tpu.memory_space<vmem>> -> memref<1x128xi32, #tpu.memory_space<vmem>>
      %dma_wait3A_318 = tpu.memref_squeeze %dma_wait3A_317 : memref<1x128xi32, #tpu.memory_space<vmem>> -> memref<128xi32, #tpu.memory_space<vmem>>
      %dma_wait3A_319 = arith.constant 0 : i32
      %dma_wait3A_320 = arith.constant 0 : i32
      %dma_wait3A_321 = tpu.memref_slice %arg3[%dma_wait3A_319, %dma_wait3A_320] : memref<1000000x64xf32, #tpu.memory_space<hbm>> -> memref<1000000x64xf32, #tpu.memory_space<hbm>>
      tpu.wait_indirect_dma semaphore(%arg10 : memref<!tpu.dma_semaphore, #tpu.memory_space<semaphore_mem>>) src(%dma_wait3A_321 : memref<1000000x64xf32, #tpu.memory_space<hbm>>) dst(%dma_wait3A_315 : memref<128x64xf32, #tpu.memory_space<vmem>>)
      %dma_wait3A_322 = arith.constant 1 : i32
      %dma_wait3A_323 = arith.constant 128 : i32
      %dma_wait3A_324 = arith.constant 0 : i32
      %dma_wait3A_325 = tpu.memref_slice %arg6[%dma_wait3A_323, %dma_wait3A_324] : memref<256x64xf32, #tpu.memory_space<vmem>> -> memref<128x64xf32, #tpu.memory_space<vmem>>
      %dma_wait3A_326 = arith.constant 0 : i32
      %dma_wait3A_327 = tpu.memref_slice %arg5[%dma_wait3A_322, %dma_wait3A_326] : memref<200x128xi32, #tpu.memory_space<vmem>> -> memref<1x128xi32, #tpu.memory_space<vmem>>
      %dma_wait3A_328 = tpu.memref_squeeze %dma_wait3A_327 : memref<1x128xi32, #tpu.memory_space<vmem>> -> memref<128xi32, #tpu.memory_space<vmem>>
      %dma_wait3A_329 = arith.constant 0 : i32
      %dma_wait3A_330 = arith.constant 0 : i32
      %dma_wait3A_331 = tpu.memref_slice %arg3[%dma_wait3A_329, %dma_wait3A_330] : memref<1000000x64xf32, #tpu.memory_space<hbm>> -> memref<1000000x64xf32, #tpu.memory_space<hbm>>
      tpu.wait_indirect_dma semaphore(%arg10 : memref<!tpu.dma_semaphore, #tpu.memory_space<semaphore_mem>>) src(%dma_wait3A_331 : memref<1000000x64xf32, #tpu.memory_space<hbm>>) dst(%dma_wait3A_325 : memref<128x64xf32, #tpu.memory_space<vmem>>)
      %mul3A_332 = arith.constant 256 : i32
      %mul3A_333 = arith.muli %add3A_279, %mul3A_332 : i32
      %add3A_334 = arith.addi %mul3A_2, %mul3A_333 : i32
      %dma_start3A_335 = arith.constant 0 : i32
      %dma_start3A_336 = tpu.memref_slice %arg4[%add3A_334, %dma_start3A_335] : memref<819200x64xf32, #tpu.memory_space<hbm>> -> memref<256x64xf32, #tpu.memory_space<hbm>>
      %dma_start3A_337 = arith.constant 0 : i32
      %dma_start3A_338 = tpu.memref_slice %arg4[%add3A_334, %dma_start3A_337] : memref<819200x64xf32, #tpu.memory_space<hbm>> -> memref<256x64xf32, #tpu.memory_space<hbm>>
      tpu.enqueue_dma source(%arg6 : memref<256x64xf32, #tpu.memory_space<vmem>>) target(%dma_start3A_338 : memref<256x64xf32, #tpu.memory_space<hbm>>) target_semaphore(%arg14 : memref<!tpu.dma_semaphore, #tpu.memory_space<semaphore_mem>>)
      %mul3A_339 = arith.constant 4 : i32
      %mul3A_340 = arith.muli %scan3A_208, %mul3A_339 : i32
      %add3A_341 = arith.constant 3 : i32
      %add3A_342 = arith.addi %add3A_341, %mul3A_340 : i32
      %add3A_343 = arith.constant 2 : i32
      %add3A_344 = arith.addi %add3A_342, %add3A_343 : i32
      %dma_wait3A_345 = arith.constant 0 : i32
      %dma_wait3A_346 = tpu.memref_slice %arg4[%mul3A_2, %dma_wait3A_345] : memref<819200x64xf32, #tpu.memory_space<hbm>> -> memref<256x64xf32, #tpu.memory_space<hbm>>
      %dma_wait3A_347 = arith.constant 0 : i32
      %dma_wait3A_348 = tpu.memref_slice %arg4[%mul3A_2, %dma_wait3A_347] : memref<819200x64xf32, #tpu.memory_space<hbm>> -> memref<256x64xf32, #tpu.memory_space<hbm>>
      tpu.wait_dma2 semaphore(%arg16 : memref<!tpu.dma_semaphore, #tpu.memory_space<semaphore_mem>>) src(%arg8 : memref<256x64xf32, #tpu.memory_space<vmem>>) dst(%dma_wait3A_348 : memref<256x64xf32, #tpu.memory_space<hbm>>)
      %add3A_349 = arith.constant 1 : i32
      %add3A_350 = arith.addi %add3A_344, %add3A_349 : i32
      %mul3A_351 = arith.constant 2 : i32
      %mul3A_352 = arith.muli %add3A_350, %mul3A_351 : i32
      %add3A_353 = arith.constant 0 : i32
      %add3A_354 = arith.addi %mul3A_352, %add3A_353 : i32
      %dma_start3A_355 = arith.constant 0 : i32
      %dma_start3A_356 = arith.constant 0 : i32
      %dma_start3A_357 = tpu.memref_slice %arg8[%dma_start3A_355, %dma_start3A_356] : memref<256x64xf32, #tpu.memory_space<vmem>> -> memref<128x64xf32, #tpu.memory_space<vmem>>
      %dma_start3A_358 = arith.constant 0 : i32
      %dma_start3A_359 = tpu.memref_slice %arg5[%add3A_354, %dma_start3A_358] : memref<200x128xi32, #tpu.memory_space<vmem>> -> memref<1x128xi32, #tpu.memory_space<vmem>>
      %dma_start3A_360 = tpu.memref_squeeze %dma_start3A_359 : memref<1x128xi32, #tpu.memory_space<vmem>> -> memref<128xi32, #tpu.memory_space<vmem>>
      %dma_start3A_361 = arith.constant 0 : i32
      %dma_start3A_362 = arith.constant 0 : i32
      %dma_start3A_363 = tpu.memref_slice %arg3[%dma_start3A_361, %dma_start3A_362] : memref<1000000x64xf32, #tpu.memory_space<hbm>> -> memref<1000000x64xf32, #tpu.memory_space<hbm>>
      tpu.enqueue_indirect_dma source(%dma_start3A_363 : memref<1000000x64xf32, #tpu.memory_space<hbm>>) target(%dma_start3A_357 : memref<128x64xf32, #tpu.memory_space<vmem>>) offsets(%dma_start3A_360 : memref<128xi32, #tpu.memory_space<vmem>>) semaphore(%arg12 : memref<!tpu.dma_semaphore, #tpu.memory_space<semaphore_mem>>)
      %mul3A_364 = arith.constant 2 : i32
      %mul3A_365 = arith.muli %add3A_350, %mul3A_364 : i32
      %add3A_366 = arith.constant 1 : i32
      %add3A_367 = arith.addi %mul3A_365, %add3A_366 : i32
      %dma_start3A_368 = arith.constant 128 : i32
      %dma_start3A_369 = arith.constant 0 : i32
      %dma_start3A_370 = tpu.memref_slice %arg8[%dma_start3A_368, %dma_start3A_369] : memref<256x64xf32, #tpu.memory_space<vmem>> -> memref<128x64xf32, #tpu.memory_space<vmem>>
      %dma_start3A_371 = arith.constant 0 : i32
      %dma_start3A_372 = tpu.memref_slice %arg5[%add3A_367, %dma_start3A_371] : memref<200x128xi32, #tpu.memory_space<vmem>> -> memref<1x128xi32, #tpu.memory_space<vmem>>
      %dma_start3A_373 = tpu.memref_squeeze %dma_start3A_372 : memref<1x128xi32, #tpu.memory_space<vmem>> -> memref<128xi32, #tpu.memory_space<vmem>>
      %dma_start3A_374 = arith.constant 0 : i32
      %dma_start3A_375 = arith.constant 0 : i32
      %dma_start3A_376 = tpu.memref_slice %arg3[%dma_start3A_374, %dma_start3A_375] : memref<1000000x64xf32, #tpu.memory_space<hbm>> -> memref<1000000x64xf32, #tpu.memory_space<hbm>>
      tpu.enqueue_indirect_dma source(%dma_start3A_376 : memref<1000000x64xf32, #tpu.memory_space<hbm>>) target(%dma_start3A_370 : memref<128x64xf32, #tpu.memory_space<vmem>>) offsets(%dma_start3A_373 : memref<128xi32, #tpu.memory_space<vmem>>) semaphore(%arg12 : memref<!tpu.dma_semaphore, #tpu.memory_space<semaphore_mem>>)
      %dma_wait3A_377 = arith.constant 0 : i32
      %dma_wait3A_378 = arith.constant 0 : i32
      %dma_wait3A_379 = arith.constant 0 : i32
      %dma_wait3A_380 = tpu.memref_slice %arg7[%dma_wait3A_378, %dma_wait3A_379] : memref<256x64xf32, #tpu.memory_space<vmem>> -> memref<128x64xf32, #tpu.memory_space<vmem>>
      %dma_wait3A_381 = arith.constant 0 : i32
      %dma_wait3A_382 = tpu.memref_slice %arg5[%dma_wait3A_377, %dma_wait3A_381] : memref<200x128xi32, #tpu.memory_space<vmem>> -> memref<1x128xi32, #tpu.memory_space<vmem>>
      %dma_wait3A_383 = tpu.memref_squeeze %dma_wait3A_382 : memref<1x128xi32, #tpu.memory_space<vmem>> -> memref<128xi32, #tpu.memory_space<vmem>>
      %dma_wait3A_384 = arith.constant 0 : i32
      %dma_wait3A_385 = arith.constant 0 : i32
      %dma_wait3A_386 = tpu.memref_slice %arg3[%dma_wait3A_384, %dma_wait3A_385] : memref<1000000x64xf32, #tpu.memory_space<hbm>> -> memref<1000000x64xf32, #tpu.memory_space<hbm>>
      tpu.wait_indirect_dma semaphore(%arg11 : memref<!tpu.dma_semaphore, #tpu.memory_space<semaphore_mem>>) src(%dma_wait3A_386 : memref<1000000x64xf32, #tpu.memory_space<hbm>>) dst(%dma_wait3A_380 : memref<128x64xf32, #tpu.memory_space<vmem>>)
      %dma_wait3A_387 = arith.constant 1 : i32
      %dma_wait3A_388 = arith.constant 128 : i32
      %dma_wait3A_389 = arith.constant 0 : i32
      %dma_wait3A_390 = tpu.memref_slice %arg7[%dma_wait3A_388, %dma_wait3A_389] : memref<256x64xf32, #tpu.memory_space<vmem>> -> memref<128x64xf32, #tpu.memory_space<vmem>>
      %dma_wait3A_391 = arith.constant 0 : i32
      %dma_wait3A_392 = tpu.memref_slice %arg5[%dma_wait3A_387, %dma_wait3A_391] : memref<200x128xi32, #tpu.memory_space<vmem>> -> memref<1x128xi32, #tpu.memory_space<vmem>>
      %dma_wait3A_393 = tpu.memref_squeeze %dma_wait3A_392 : memref<1x128xi32, #tpu.memory_space<vmem>> -> memref<128xi32, #tpu.memory_space<vmem>>
      %dma_wait3A_394 = arith.constant 0 : i32
      %dma_wait3A_395 = arith.constant 0 : i32
      %dma_wait3A_396 = tpu.memref_slice %arg3[%dma_wait3A_394, %dma_wait3A_395] : memref<1000000x64xf32, #tpu.memory_space<hbm>> -> memref<1000000x64xf32, #tpu.memory_space<hbm>>
      tpu.wait_indirect_dma semaphore(%arg11 : memref<!tpu.dma_semaphore, #tpu.memory_space<semaphore_mem>>) src(%dma_wait3A_396 : memref<1000000x64xf32, #tpu.memory_space<hbm>>) dst(%dma_wait3A_390 : memref<128x64xf32, #tpu.memory_space<vmem>>)
      %mul3A_397 = arith.constant 256 : i32
      %mul3A_398 = arith.muli %add3A_344, %mul3A_397 : i32
      %add3A_399 = arith.addi %mul3A_2, %mul3A_398 : i32
      %dma_start3A_400 = arith.constant 0 : i32
      %dma_start3A_401 = tpu.memref_slice %arg4[%add3A_399, %dma_start3A_400] : memref<819200x64xf32, #tpu.memory_space<hbm>> -> memref<256x64xf32, #tpu.memory_space<hbm>>
      %dma_start3A_402 = arith.constant 0 : i32
      %dma_start3A_403 = tpu.memref_slice %arg4[%add3A_399, %dma_start3A_402] : memref<819200x64xf32, #tpu.memory_space<hbm>> -> memref<256x64xf32, #tpu.memory_space<hbm>>
      tpu.enqueue_dma source(%arg7 : memref<256x64xf32, #tpu.memory_space<vmem>>) target(%dma_start3A_403 : memref<256x64xf32, #tpu.memory_space<hbm>>) target_semaphore(%arg15 : memref<!tpu.dma_semaphore, #tpu.memory_space<semaphore_mem>>)
      %mul3A_404 = arith.constant 4 : i32
      %mul3A_405 = arith.muli %scan3A_208, %mul3A_404 : i32
      %add3A_406 = arith.constant 3 : i32
      %add3A_407 = arith.addi %add3A_406, %mul3A_405 : i32
      %add3A_408 = arith.constant 3 : i32
      %add3A_409 = arith.addi %add3A_407, %add3A_408 : i32
      %dma_wait3A_410 = arith.constant 0 : i32
      %dma_wait3A_411 = tpu.memref_slice %arg4[%mul3A_2, %dma_wait3A_410] : memref<819200x64xf32, #tpu.memory_space<hbm>> -> memref<256x64xf32, #tpu.memory_space<hbm>>
      %dma_wait3A_412 = arith.constant 0 : i32
      %dma_wait3A_413 = tpu.memref_slice %arg4[%mul3A_2, %dma_wait3A_412] : memref<819200x64xf32, #tpu.memory_space<hbm>> -> memref<256x64xf32, #tpu.memory_space<hbm>>
      tpu.wait_dma2 semaphore(%arg17 : memref<!tpu.dma_semaphore, #tpu.memory_space<semaphore_mem>>) src(%arg9 : memref<256x64xf32, #tpu.memory_space<vmem>>) dst(%dma_wait3A_413 : memref<256x64xf32, #tpu.memory_space<hbm>>)
      %add3A_414 = arith.constant 1 : i32
      %add3A_415 = arith.addi %add3A_409, %add3A_414 : i32
      %mul3A_416 = arith.constant 2 : i32
      %mul3A_417 = arith.muli %add3A_415, %mul3A_416 : i32
      %add3A_418 = arith.constant 0 : i32
      %add3A_419 = arith.addi %mul3A_417, %add3A_418 : i32
      %dma_start3A_420 = arith.constant 0 : i32
      %dma_start3A_421 = arith.constant 0 : i32
      %dma_start3A_422 = tpu.memref_slice %arg9[%dma_start3A_420, %dma_start3A_421] : memref<256x64xf32, #tpu.memory_space<vmem>> -> memref<128x64xf32, #tpu.memory_space<vmem>>
      %dma_start3A_423 = arith.constant 0 : i32
      %dma_start3A_424 = tpu.memref_slice %arg5[%add3A_419, %dma_start3A_423] : memref<200x128xi32, #tpu.memory_space<vmem>> -> memref<1x128xi32, #tpu.memory_space<vmem>>
      %dma_start3A_425 = tpu.memref_squeeze %dma_start3A_424 : memref<1x128xi32, #tpu.memory_space<vmem>> -> memref<128xi32, #tpu.memory_space<vmem>>
      %dma_start3A_426 = arith.constant 0 : i32
      %dma_start3A_427 = arith.constant 0 : i32
      %dma_start3A_428 = tpu.memref_slice %arg3[%dma_start3A_426, %dma_start3A_427] : memref<1000000x64xf32, #tpu.memory_space<hbm>> -> memref<1000000x64xf32, #tpu.memory_space<hbm>>
      tpu.enqueue_indirect_dma source(%dma_start3A_428 : memref<1000000x64xf32, #tpu.memory_space<hbm>>) target(%dma_start3A_422 : memref<128x64xf32, #tpu.memory_space<vmem>>) offsets(%dma_start3A_425 : memref<128xi32, #tpu.memory_space<vmem>>) semaphore(%arg13 : memref<!tpu.dma_semaphore, #tpu.memory_space<semaphore_mem>>)
      %mul3A_429 = arith.constant 2 : i32
      %mul3A_430 = arith.muli %add3A_415, %mul3A_429 : i32
      %add3A_431 = arith.constant 1 : i32
      %add3A_432 = arith.addi %mul3A_430, %add3A_431 : i32
      %dma_start3A_433 = arith.constant 128 : i32
      %dma_start3A_434 = arith.constant 0 : i32
      %dma_start3A_435 = tpu.memref_slice %arg9[%dma_start3A_433, %dma_start3A_434] : memref<256x64xf32, #tpu.memory_space<vmem>> -> memref<128x64xf32, #tpu.memory_space<vmem>>
      %dma_start3A_436 = arith.constant 0 : i32
      %dma_start3A_437 = tpu.memref_slice %arg5[%add3A_432, %dma_start3A_436] : memref<200x128xi32, #tpu.memory_space<vmem>> -> memref<1x128xi32, #tpu.memory_space<vmem>>
      %dma_start3A_438 = tpu.memref_squeeze %dma_start3A_437 : memref<1x128xi32, #tpu.memory_space<vmem>> -> memref<128xi32, #tpu.memory_space<vmem>>
      %dma_start3A_439 = arith.constant 0 : i32
      %dma_start3A_440 = arith.constant 0 : i32
      %dma_start3A_441 = tpu.memref_slice %arg3[%dma_start3A_439, %dma_start3A_440] : memref<1000000x64xf32, #tpu.memory_space<hbm>> -> memref<1000000x64xf32, #tpu.memory_space<hbm>>
      tpu.enqueue_indirect_dma source(%dma_start3A_441 : memref<1000000x64xf32, #tpu.memory_space<hbm>>) target(%dma_start3A_435 : memref<128x64xf32, #tpu.memory_space<vmem>>) offsets(%dma_start3A_438 : memref<128xi32, #tpu.memory_space<vmem>>) semaphore(%arg13 : memref<!tpu.dma_semaphore, #tpu.memory_space<semaphore_mem>>)
      %dma_wait3A_442 = arith.constant 0 : i32
      %dma_wait3A_443 = arith.constant 0 : i32
      %dma_wait3A_444 = arith.constant 0 : i32
      %dma_wait3A_445 = tpu.memref_slice %arg8[%dma_wait3A_443, %dma_wait3A_444] : memref<256x64xf32, #tpu.memory_space<vmem>> -> memref<128x64xf32, #tpu.memory_space<vmem>>
      %dma_wait3A_446 = arith.constant 0 : i32
      %dma_wait3A_447 = tpu.memref_slice %arg5[%dma_wait3A_442, %dma_wait3A_446] : memref<200x128xi32, #tpu.memory_space<vmem>> -> memref<1x128xi32, #tpu.memory_space<vmem>>
      %dma_wait3A_448 = tpu.memref_squeeze %dma_wait3A_447 : memref<1x128xi32, #tpu.memory_space<vmem>> -> memref<128xi32, #tpu.memory_space<vmem>>
      %dma_wait3A_449 = arith.constant 0 : i32
      %dma_wait3A_450 = arith.constant 0 : i32
      %dma_wait3A_451 = tpu.memref_slice %arg3[%dma_wait3A_449, %dma_wait3A_450] : memref<1000000x64xf32, #tpu.memory_space<hbm>> -> memref<1000000x64xf32, #tpu.memory_space<hbm>>
      tpu.wait_indirect_dma semaphore(%arg12 : memref<!tpu.dma_semaphore, #tpu.memory_space<semaphore_mem>>) src(%dma_wait3A_451 : memref<1000000x64xf32, #tpu.memory_space<hbm>>) dst(%dma_wait3A_445 : memref<128x64xf32, #tpu.memory_space<vmem>>)
      %dma_wait3A_452 = arith.constant 1 : i32
      %dma_wait3A_453 = arith.constant 128 : i32
      %dma_wait3A_454 = arith.constant 0 : i32
      %dma_wait3A_455 = tpu.memref_slice %arg8[%dma_wait3A_453, %dma_wait3A_454] : memref<256x64xf32, #tpu.memory_space<vmem>> -> memref<128x64xf32, #tpu.memory_space<vmem>>
      %dma_wait3A_456 = arith.constant 0 : i32
      %dma_wait3A_457 = tpu.memref_slice %arg5[%dma_wait3A_452, %dma_wait3A_456] : memref<200x128xi32, #tpu.memory_space<vmem>> -> memref<1x128xi32, #tpu.memory_space<vmem>>
      %dma_wait3A_458 = tpu.memref_squeeze %dma_wait3A_457 : memref<1x128xi32, #tpu.memory_space<vmem>> -> memref<128xi32, #tpu.memory_space<vmem>>
      %dma_wait3A_459 = arith.constant 0 : i32
      %dma_wait3A_460 = arith.constant 0 : i32
      %dma_wait3A_461 = tpu.memref_slice %arg3[%dma_wait3A_459, %dma_wait3A_460] : memref<1000000x64xf32, #tpu.memory_space<hbm>> -> memref<1000000x64xf32, #tpu.memory_space<hbm>>
      tpu.wait_indirect_dma semaphore(%arg12 : memref<!tpu.dma_semaphore, #tpu.memory_space<semaphore_mem>>) src(%dma_wait3A_461 : memref<1000000x64xf32, #tpu.memory_space<hbm>>) dst(%dma_wait3A_455 : memref<128x64xf32, #tpu.memory_space<vmem>>)
      %mul3A_462 = arith.constant 256 : i32
      %mul3A_463 = arith.muli %add3A_409, %mul3A_462 : i32
      %add3A_464 = arith.addi %mul3A_2, %mul3A_463 : i32
      %dma_start3A_465 = arith.constant 0 : i32
      %dma_start3A_466 = tpu.memref_slice %arg4[%add3A_464, %dma_start3A_465] : memref<819200x64xf32, #tpu.memory_space<hbm>> -> memref<256x64xf32, #tpu.memory_space<hbm>>
      %dma_start3A_467 = arith.constant 0 : i32
      %dma_start3A_468 = tpu.memref_slice %arg4[%add3A_464, %dma_start3A_467] : memref<819200x64xf32, #tpu.memory_space<hbm>> -> memref<256x64xf32, #tpu.memory_space<hbm>>
      tpu.enqueue_dma source(%arg8 : memref<256x64xf32, #tpu.memory_space<vmem>>) target(%dma_start3A_468 : memref<256x64xf32, #tpu.memory_space<hbm>>) target_semaphore(%arg16 : memref<!tpu.dma_semaphore, #tpu.memory_space<semaphore_mem>>)
    }
    %scan3A_165 = arith.constant 24 : i32
    %dma_wait3A_166 = arith.constant 0 : i32
    %dma_wait3A_167 = arith.constant 0 : i32
    %dma_wait3A_168 = arith.constant 0 : i32
    %dma_wait3A_169 = tpu.memref_slice %arg9[%dma_wait3A_167, %dma_wait3A_168] : memref<256x64xf32, #tpu.memory_space<vmem>> -> memref<128x64xf32, #tpu.memory_space<vmem>>
    %dma_wait3A_170 = arith.constant 0 : i32
    %dma_wait3A_171 = tpu.memref_slice %arg5[%dma_wait3A_166, %dma_wait3A_170] : memref<200x128xi32, #tpu.memory_space<vmem>> -> memref<1x128xi32, #tpu.memory_space<vmem>>
    %dma_wait3A_172 = tpu.memref_squeeze %dma_wait3A_171 : memref<1x128xi32, #tpu.memory_space<vmem>> -> memref<128xi32, #tpu.memory_space<vmem>>
    %dma_wait3A_173 = arith.constant 0 : i32
    %dma_wait3A_174 = arith.constant 0 : i32
    %dma_wait3A_175 = tpu.memref_slice %arg3[%dma_wait3A_173, %dma_wait3A_174] : memref<1000000x64xf32, #tpu.memory_space<hbm>> -> memref<1000000x64xf32, #tpu.memory_space<hbm>>
    tpu.wait_indirect_dma semaphore(%arg13 : memref<!tpu.dma_semaphore, #tpu.memory_space<semaphore_mem>>) src(%dma_wait3A_175 : memref<1000000x64xf32, #tpu.memory_space<hbm>>) dst(%dma_wait3A_169 : memref<128x64xf32, #tpu.memory_space<vmem>>)
    %dma_wait3A_176 = arith.constant 1 : i32
    %dma_wait3A_177 = arith.constant 128 : i32
    %dma_wait3A_178 = arith.constant 0 : i32
    %dma_wait3A_179 = tpu.memref_slice %arg9[%dma_wait3A_177, %dma_wait3A_178] : memref<256x64xf32, #tpu.memory_space<vmem>> -> memref<128x64xf32, #tpu.memory_space<vmem>>
    %dma_wait3A_180 = arith.constant 0 : i32
    %dma_wait3A_181 = tpu.memref_slice %arg5[%dma_wait3A_176, %dma_wait3A_180] : memref<200x128xi32, #tpu.memory_space<vmem>> -> memref<1x128xi32, #tpu.memory_space<vmem>>
    %dma_wait3A_182 = tpu.memref_squeeze %dma_wait3A_181 : memref<1x128xi32, #tpu.memory_space<vmem>> -> memref<128xi32, #tpu.memory_space<vmem>>
    %dma_wait3A_183 = arith.constant 0 : i32
    %dma_wait3A_184 = arith.constant 0 : i32
    %dma_wait3A_185 = tpu.memref_slice %arg3[%dma_wait3A_183, %dma_wait3A_184] : memref<1000000x64xf32, #tpu.memory_space<hbm>> -> memref<1000000x64xf32, #tpu.memory_space<hbm>>
    tpu.wait_indirect_dma semaphore(%arg13 : memref<!tpu.dma_semaphore, #tpu.memory_space<semaphore_mem>>) src(%dma_wait3A_185 : memref<1000000x64xf32, #tpu.memory_space<hbm>>) dst(%dma_wait3A_179 : memref<128x64xf32, #tpu.memory_space<vmem>>)
    %add3A_186 = arith.constant 25344 : i32
    %add3A_187 = arith.addi %mul3A_2, %add3A_186 : i32
    %dma_start3A_188 = arith.constant 0 : i32
    %dma_start3A_189 = tpu.memref_slice %arg4[%add3A_187, %dma_start3A_188] : memref<819200x64xf32, #tpu.memory_space<hbm>> -> memref<256x64xf32, #tpu.memory_space<hbm>>
    %dma_start3A_190 = arith.constant 0 : i32
    %dma_start3A_191 = tpu.memref_slice %arg4[%add3A_187, %dma_start3A_190] : memref<819200x64xf32, #tpu.memory_space<hbm>> -> memref<256x64xf32, #tpu.memory_space<hbm>>
    tpu.enqueue_dma source(%arg9 : memref<256x64xf32, #tpu.memory_space<vmem>>) target(%dma_start3A_191 : memref<256x64xf32, #tpu.memory_space<hbm>>) target_semaphore(%arg17 : memref<!tpu.dma_semaphore, #tpu.memory_space<semaphore_mem>>)
    %dma_wait3A_192 = arith.constant 0 : i32
    %dma_wait3A_193 = tpu.memref_slice %arg4[%mul3A_2, %dma_wait3A_192] : memref<819200x64xf32, #tpu.memory_space<hbm>> -> memref<256x64xf32, #tpu.memory_space<hbm>>
    %dma_wait3A_194 = arith.constant 0 : i32
    %dma_wait3A_195 = tpu.memref_slice %arg4[%mul3A_2, %dma_wait3A_194] : memref<819200x64xf32, #tpu.memory_space<hbm>> -> memref<256x64xf32, #tpu.memory_space<hbm>>
    tpu.wait_dma2 semaphore(%arg14 : memref<!tpu.dma_semaphore, #tpu.memory_space<semaphore_mem>>) src(%arg6 : memref<256x64xf32, #tpu.memory_space<vmem>>) dst(%dma_wait3A_195 : memref<256x64xf32, #tpu.memory_space<hbm>>)
    %dma_wait3A_196 = arith.constant 0 : i32
    %dma_wait3A_197 = tpu.memref_slice %arg4[%mul3A_2, %dma_wait3A_196] : memref<819200x64xf32, #tpu.memory_space<hbm>> -> memref<256x64xf32, #tpu.memory_space<hbm>>
    %dma_wait3A_198 = arith.constant 0 : i32
    %dma_wait3A_199 = tpu.memref_slice %arg4[%mul3A_2, %dma_wait3A_198] : memref<819200x64xf32, #tpu.memory_space<hbm>> -> memref<256x64xf32, #tpu.memory_space<hbm>>
    tpu.wait_dma2 semaphore(%arg15 : memref<!tpu.dma_semaphore, #tpu.memory_space<semaphore_mem>>) src(%arg7 : memref<256x64xf32, #tpu.memory_space<vmem>>) dst(%dma_wait3A_199 : memref<256x64xf32, #tpu.memory_space<hbm>>)
    %dma_wait3A_200 = arith.constant 0 : i32
    %dma_wait3A_201 = tpu.memref_slice %arg4[%mul3A_2, %dma_wait3A_200] : memref<819200x64xf32, #tpu.memory_space<hbm>> -> memref<256x64xf32, #tpu.memory_space<hbm>>
    %dma_wait3A_202 = arith.constant 0 : i32
    %dma_wait3A_203 = tpu.memref_slice %arg4[%mul3A_2, %dma_wait3A_202] : memref<819200x64xf32, #tpu.memory_space<hbm>> -> memref<256x64xf32, #tpu.memory_space<hbm>>
    tpu.wait_dma2 semaphore(%arg16 : memref<!tpu.dma_semaphore, #tpu.memory_space<semaphore_mem>>) src(%arg8 : memref<256x64xf32, #tpu.memory_space<vmem>>) dst(%dma_wait3A_203 : memref<256x64xf32, #tpu.memory_space<hbm>>)
    %dma_wait3A_204 = arith.constant 0 : i32
    %dma_wait3A_205 = tpu.memref_slice %arg4[%mul3A_2, %dma_wait3A_204] : memref<819200x64xf32, #tpu.memory_space<hbm>> -> memref<256x64xf32, #tpu.memory_space<hbm>>
    %dma_wait3A_206 = arith.constant 0 : i32
    %dma_wait3A_207 = tpu.memref_slice %arg4[%mul3A_2, %dma_wait3A_206] : memref<819200x64xf32, #tpu.memory_space<hbm>> -> memref<256x64xf32, #tpu.memory_space<hbm>>
    tpu.wait_dma2 semaphore(%arg17 : memref<!tpu.dma_semaphore, #tpu.memory_space<semaphore_mem>>) src(%arg9 : memref<256x64xf32, #tpu.memory_space<vmem>>) dst(%dma_wait3A_207 : memref<256x64xf32, #tpu.memory_space<hbm>>)
    return
  }
}

</mosaic_0001>

<sc_bundles>
// kernel: kernel.3.cloned.1.call-start
scs
__scs_entry_jumppad:
0x0: {  	(pc) =	sbr.rel $0x88, $3  }
0x1: {  	(tag) =	ssettag $0x0;
	lr =	simm.s32 $0x1  }
0x2: {  	[smem:$0x3F9F] =	sst lr;
	_ =	strace $0xD0000000  }
0x3: {  	_ = 	snop  }
0x4: {  	_ = 	snop  }
0x5: {  	_ = 	snop  }
0x6: {  	_ = 	snop  }
0x7: {  	_ = 	snop  }
__scs_overlays_trampoline_lowered:
0x8: {  	[smem:$0x3FAE] =	sst s0  }
0x9: {  	[smem:$0x3FAF] =	sst s1  }
0xa: {  	[smem:$0x3FB0] =	sst s2  }
0xb: {  	[smem:$0x3FB1] =	sst s3  }
0xc: {  	[smem:$0x3FB2] =	sst s4  }
0xd: {  	[smem:$0x3FB3] =	sst s5  }
0xe: {  	[smem:$0x3FB4] =	sst s6  }
0xf: {  	[smem:$0x3FB5] =	sst s7  }
0x10: {  	[smem:$0x3FB6] =	sst s8  }
0x11: {  	[smem:$0x3FB7] =	sst s9;
	s0 =	simm.s32 @!p0 $0x0  }
0x12: {  	s1 =	sld [smem:$0x3F9D];
	s0 =	simm.s32 @p0 $0x1  }
0x13: {  	[smem:$0x3FB8] =	sst s0;
	s0 =	simm.s32 @!p1 $0x0  }
0x14: {  	s2 =	sld [smem:$0x3F9C];
	s0 =	simm.s32 @p1 $0x1  }
0x15: {  	[smem:$0x3FB9] =	sst s0;
	s0 =	simm.s32 @!p2 $0x0  }
0x16: {  	s3 =	sld [smem:$0x3FDB];
	s0 =	simm.s32 @p2 $0x1  }
0x17: {  	s4 =	simm.s32 $0x1BF5;
	[smem:$0x3FBB] =	sst s0  }
0x18: {  	s0 =	sld [smem:$0x3F9E];
	_ =	swait.ge [sflag:s4], $0x0  }
0x19: {  	s7 =	sld [smem:$0x3F9F]  }
0x1a: {  	s8 =	sadd.s32 $0xFFFFE003, lr  }
0x1b: {  	s9 =	sadd.s32 $0xFFFFFEF7, lr;
	s5 =	simm.s32 $0xFFFFFFFF;
	p2 =	slt.u32 s8, $0xFFFFF086  }
0x1c: {  	p1 =	slt.u32 s9, $0xF7A;
	s5 =	simm.s32 @!p2 $0x0  }
0x1d: {  	s5 =	simm.s32 @p1 $0x1;
	p0 =	seq.s32 s7, s2  }
0x1e: {  	s7 =	smul.u32 @!p0 $0xF7A, s2;
	p2 =	seq.s32 @!p0 s5, $0x0  }
0x1f: {  	s9 =	smul.u32 $0xF7A, s1;
	s8 =	simm.s32 @!p0 $0x1BF5;
	p2 =	por !p2, p0  }
0x20: {  	[sflag:s8] =	ssyncset.s32 @!p0 $0xFFFFF086;
	s6 =	sadd.s32 @!p0 s3, s7;
	s7 =	simm.s32 @!p0 $0x108  }
0x21: {  	s3 =	sadd.s32 s3, s9;
	s6 =	sadd.s32 @!p0 $0x88, s6;
	s7 =	simm.s32 @p2 $0x1082  }
0x22: {  	[simem:s7], [sflag:s8] =	dma.local @!p0 [hbm:s6], $0xF7A  }
0x23: {  	s9 =	sor.u32 $0xD0000000, s2;
	s6 =	simm.s32 $0x108;
	_ =	swait.ge @!p0 [sflag:s8], $0x0  }
0x24: {  	s3 =	sadd.s32 $0x88, s3;
	s6 =	simm.s32 @!p1 $0x1082;
	[sflag:s4] =	ssyncset.s32 $0xFFFFF086  }
0x25: {  	[simem:s6], [sflag:s4] =	dma.local [hbm:s3], $0xF7A  }
0x26: {  	[smem:$0x3F9F] =	sst s1;
	(tag) =	ssettag s2;
	_ =	strace s9  }
0x27: {  	s1 =	sld [smem:$0x3FAF]  }
0x28: {  	s2 =	sld [smem:$0x3FB0]  }
0x29: {  	s4 =	sld [smem:$0x3FB2]  }
0x2a: {  	p0 =	seq.s32 s5, $0x0;
	s5 =	sld [smem:$0x3FB3]  }
0x2b: {  	s6 =	sld [smem:$0x3FB4]  }
0x2c: {  	s7 =	sld [smem:$0x3FB5]  }
0x2d: {  	s3 =	simm.s32 $0x108;
	s8 =	sld [smem:$0x3FB6]  }
0x2e: {  	s3 =	simm.s32 @!p0 $0x1082;
	s9 =	sld [smem:$0x3FB7]  }
0x2f: {  	lr =	sadd.s32 s0, s3;
	s0 =	sld [smem:$0x3FAE]  }
0x30: {  	s3 =	sld [smem:$0x3FB1]  }
0x31: {  	[smem:$0x3FBA] =	sst s10  }
0x32: {  	s10 =	sld [smem:$0x3FB8];
	_ =	sdelay $0x3  }
0x33: {  	p0 =	seq.s32 s10, $0x1;
	s10 =	sld [smem:$0x3FBA];
	_ =	sdelay $0x3  }
0x34: {  	[smem:$0x3FBA] =	sst s10  }
0x35: {  	s10 =	sld [smem:$0x3FB9];
	_ =	sdelay $0x3  }
0x36: {  	p1 =	seq.s32 s10, $0x1;
	s10 =	sld [smem:$0x3FBA];
	_ =	sdelay $0x3  }
0x37: {  	[smem:$0x3FBA] =	sst s10  }
0x38: {  	s10 =	sld [smem:$0x3FBB]  }
0x39: {  	_ = 	snop;
	(pc) =	sbr.ind lr, $3  }
0x3a: {  	_ = 	snop  }
0x3b: {  	_ = 	snop  }
0x3c: {  	p2 =	seq.s32 s10, $0x1;
	s10 =	sld [smem:$0x3FBA]  }
0x3d: {  	_ =	shalt  }
0x3e: {  	_ =	shalt  }
0x3f: {  	_ =	shalt  }
0x40: {  	_ =	shalt  }
0x41: {  	_ =	shalt  }
0x42: {  	_ =	shalt  }
0x43: {  	_ =	shalt  }
0x44: {  	_ =	shalt  }
0x45: {  	_ =	shalt  }
0x46: {  	_ =	shalt  }
0x47: {  	_ =	shalt  }
0x48: {  	_ =	shalt  }
0x49: {  	_ =	shalt  }
0x4a: {  	_ =	shalt  }
0x4b: {  	_ =	shalt  }
0x4c: {  	_ =	shalt  }
0x4d: {  	_ =	shalt  }
0x4e: {  	_ =	shalt  }
0x4f: {  	_ =	shalt  }
0x50: {  	_ =	shalt  }
0x51: {  	_ =	shalt  }
0x52: {  	_ =	shalt  }
0x53: {  	_ =	shalt  }
0x54: {  	_ =	shalt  }
0x55: {  	_ =	shalt  }
0x56: {  	_ =	shalt  }
0x57: {  	_ =	shalt  }
0x58: {  	_ =	shalt  }
0x59: {  	_ =	shalt  }
0x5a: {  	_ =	shalt  }
0x5b: {  	_ =	shalt  }
0x5c: {  	_ =	shalt  }
0x5d: {  	_ =	shalt  }
0x5e: {  	_ =	shalt  }
0x5f: {  	_ =	shalt  }
0x60: {  	_ =	shalt  }
0x61: {  	_ =	shalt  }
0x62: {  	_ =	shalt  }
0x63: {  	_ =	shalt  }
0x64: {  	_ =	shalt  }
0x65: {  	_ =	shalt  }
0x66: {  	_ =	shalt  }
0x67: {  	_ =	shalt  }
0x68: {  	_ =	shalt  }
0x69: {  	_ =	shalt  }
0x6a: {  	_ =	shalt  }
0x6b: {  	_ =	shalt  }
0x6c: {  	_ =	shalt  }
0x6d: {  	_ =	shalt  }
0x6e: {  	_ =	shalt  }
0x6f: {  	_ =	shalt  }
0x70: {  	_ =	shalt  }
0x71: {  	_ =	shalt  }
0x72: {  	_ =	shalt  }
0x73: {  	_ =	shalt  }
0x74: {  	_ =	shalt  }
0x75: {  	_ =	shalt  }
0x76: {  	_ =	shalt  }
0x77: {  	_ =	shalt  }
0x78: {  	_ =	shalt  }
0x79: {  	_ =	shalt  }
0x7a: {  	_ =	shalt  }
0x7b: {  	_ =	shalt  }
0x7c: {  	_ =	shalt  }
0x7d: {  	_ =	shalt  }
0x7e: {  	_ =	shalt  }
0x7f: {  	_ =	shalt  }
0x80: {  	_ =	shalt  }
0x81: {  	_ =	shalt  }
0x82: {  	_ =	shalt  }
0x83: {  	_ =	shalt  }
0x84: {  	_ =	shalt  }
0x85: {  	_ =	shalt  }
0x86: {  	_ =	shalt  }
0x87: {  	_ =	shalt  }
.Lfunc_end0:
.L_simem_size_0:
called_computation.1_lowered:
.L_overlay_start_0:
0x88: {  	s2 =	sld [smem:$0x3FD9]  }
0x89: {  	s3 =	sld [smem:$0x3FFE];
	_ =	sdelay $0x1  }
0x8a: {  	s1 =	srdreg.scid  }
0x8b: {  	s0 =	sand.u32 $0x1, s1  }
0x8c: {  	s17 =	sshll.u32 s0, $0xA;
	s2 =	sadd.s32 s3, s2  }
0x8d: {  	s2 =	sadd.s32 s2, s17  }
0x8e: {  	[smem:$0x3FC6] =	sst s2  }
0x8f: {  	_ = 	snop  }
0x90: {  	s2 =	sld [smem:$0x3FD0];
	(tm) =	ssettm $0x1  }
0x91: {  	s18 =	sld [smem:$0x3FFB];
	_ =	sdelay $0x3  }
0x92: {  	_ =	strace s18  }
0x93: {  	s3 =	sld [smem:$0x3FFC];
	_ =	sdelay $0x3  }
0x94: {  	_ =	strace s3  }
0x95: {  	s3 =	sld [smem:$0x3FFD];
	_ =	sdelay $0x3  }
0x96: {  	_ =	strace s3  }
0x97: {  	_ =	strace $0x8FFFFFFF  }
0x98: {  	s19 =	sld [smem:$0x3FDB];
	_ =	sdelay $0x1  }
0x99: {  	s4 =	simm.s32 $_scs_section_size  }
0x9a: {  	s5 =	simm.s32 $_size__tile_overlayer_lowered;
	s6 =	simm.s32 $_tile_overlayer_lowered  }
0x9b: {  	s22 =	simm.s32 $0x1BFF;
	s21 =	sshll.u32 s6, $0x1;
	s3 =	sadd.s32 s4, s19  }
0x9c: {  	s7 =	simm.s32 $0x0;
	s20 =	sshll.u32 s5, $0x1;
	s5 =	sadd.s32 s21, s3  }
0x9d: {  	[timem:s7], [sflag:s22] =	dma.local [hbm:s5], s20  }
0x9e: {  	_ =	swait.ge [sflag:s22], s20  }
0x9f: {  	s4 =	ssub.s32 $0x0, s20;
	[sflag:s22] =	ssyncset.done $0x0  }
0xa0: {  	[sflag:s22] =	ssyncadd.s32 s4;
	_ =	sdelay $0x1  }
0xa1: {  	s23 =	simm.s32 $0x1B8B  }
0xa2: {  	_ =	swait.ge [sflag:s23], $0x1  }
0xa3: {  	[sflag:s23] =	ssyncset.done $0x0  }
0xa4: {  	s25 =	simm.s32 $0x1B8E;
	s24 =	sld [smem:$0x3FFE];
	[sflag:s23] =	ssyncadd.s32 $0xFFFFFFFF  }
0xa5: {  	s26 =	simm.s32 $execute0_lowered;
	[smem:$0x3FD2] =	sst s25  }
0xa6: {  	s5 =	sshll.u32 s26, $0x1;
	_ =	strace $0x80000046;
	[dreg:$0x1] =	wrdreg $0xFFFFFFFF  }
0xa7: {  	s28 =	simm.s32 $_size_execute0_lowered;
	s3 =	sadd.s32 s3, s5;
	[dreg:$0x0] =	wrdreg $0x0  }
0xa8: {  	s5 =	sshll.u32 s28, $0x1;
	[dreg:$0x2] =	wrdreg s3  }
0xa9: {  	[dreg:$0x3] =	wrdreg s5  }
0xaa: {  	[dreg:$0x4] =	wrdreg $0xC0  }
0xab: {  	_ =	task [dreg:s7], $0x5FFFF  }
0xac: {  	[dreg:$0x1] =	wrdreg $0xFFFFFFFF  }
0xad: {  	[dreg:$0x0] =	wrdreg $0x60  }
0xae: {  	[dreg:$0x2] =	wrdreg s24  }
0xaf: {  	[dreg:$0x3] =	wrdreg s2  }
0xb0: {  	[dreg:$0x4] =	wrdreg $0x9  }
0xb1: {  	_ =	task.clear_ibuf [dreg:s7], $0x5FFFF;
	_ =	strace $0x90000046  }
0xb2: {  	s29 =	simm.s32 $0x9;
	_ =	strace $0x80000048  }
0xb3: {  	_ =	swait.ge [sflag:s29], $0x1  }
0xb4: {  	[sflag:s29] =	ssyncadd.s32 $0xFFFFFFFF  }
0xb5: {  	_ =	strace $0x90000048  }
0xb6: {  	_ =	sfence  }
0xb7: {  	s30 =	sld [smem:$0x0];
	_ =	sdelay $0x2  }
0xb8: {  	s31 =	sshll.u32 s1, $0xD;
	s1 =	sshrl.u32 s1, $0x2  }
0xb9: {  	s3 =	sand.u32 $0x4000, s31;
	s1 =	sadd.s32 s1, s30  }
0xba: {  	s0 =	sor.u32 s3, s0;
	s1 =	sshll.u32 s1, $0x11  }
0xbb: {  	s0 =	sor.u32 s1, s0  }
0xbc: {  	s0 =	sadd.s32 $0x8F2B, s0  }
0xbd: {  	[sflag:s0] =	ssyncadd.remote.s32 $0x1  }
0xbe: {  	_ =	sfence.sel $0xFFFF  }
0xbf: {  	[dreg:$0x0] =	wrdreg $0xFFFFFFFF;
	(pc) =	sbr.abs _section_cstart, $3  }
0xc0: {  	[dreg:$0x1] =	wrdreg $0xFFFFFFFF  }
0xc1: {  	_ =	task.clear_ibuf [dreg:s7], $0x2FFFF;
	_ =	strace $0x9FFFFFFF  }
0xc2: {  	(tm) =	ssettm $0x7FFFFFFF  }
0xc3: {  	_ =	shalt  }
tec
execute0_lowered:
.L_overlay_start_1:
0x0: {  	(tag) =	ssettag $0x1  }
0x1: {  	s0 =	rddreg [dreg:$0x0];
	s10 =	stileid.u32  }
0x2: {  	s1 =	srdreg.scid;
	s9 =	smul.u32 $0x64000, s10  }
0x3: {  	s2 =	rddreg [dreg:$0x1];
	s1 =	sand.u32 $0x1, s1;
	s19 =	smul.u32 $0x320000, s10  }
0x4: {  	s3 =	simm.s32 $0x0;
	s4 =	sshll.u32 s10, $0x1;
	s17 =	smul.u32 $0x32000, s1  }
0x5: {  	s4 =	sor.u32 s1, s4;
	s7 =	ssub.s32 $0x2, s1;
	s1 =	smul.u32 $0x190000, s1  }
0x6: {  	s28 =	simm.s32 $0x10400;
	s29 =	simm.s32 $0x2;
	s5 =	smul.u32 $0xC80, s4  }
0x7: {  	s31 =	simm.s32 $0x12400;
	[smem:$0x7FF] =	sst s3;
	s6 =	smul.u32 $0x32000, s4  }
0x8: {  	s30 =	simm.s32 $0x7;
	_ =	strace $0x80000047;
	s8 =	smul.u32 $0x190000, s4  }
0x9: {  	s4 =	sadd.s32 $0xF42E00, s0;
	s16 =	sshrl.u32 s7, $0x1;
	s22 =	sadd.s32 s9, s2  }
0xa: {  	s23 =	sadd.s32 s17, s22;
	s1 =	sadd.s32 s1, s19;
	s17 =	simm.s32 $0x6400  }
0xb: {  	s22 =	simm.s32 $0xC400;
	s19 =	simm.s32 $0x3;
	s5 =	sadd.s32 s5, s0  }
0xc: {  	s0 =	ssub.s32 s7, s16;
	s11 =	sadd.s32 s2, s6;
	s18 =	sshrl.u32 s8, $0x3  }
0xd: {  	s24 =	sadd.s32 $0x14000, s1;
	s25 =	sadd.s32 $0x18000, s1;
	s1 =	sadd.s32 $0x10000, s1  }
0xe: {  	s16 =	simm.s32 $0x80;
	s5 =	sadd.s32 $0xA00, s5;
	[dreg:$0x4] =	wrdreg s11  }
0xf: {  	s20 =	sadd.s32 $0x800, s11;
	s6 =	sadd.s32 s2, s18;
	[dreg:$0xa] =	wrdreg s1  }
0x10: {  	s21 =	sadd.s32 $0x1000, s11;
	s0 =	smax.u32 s0, $0x1;
	[dreg:$0x3] =	wrdreg s5  }
0x11: {  	s26 =	sshrl.u32 s25, $0x3;
	s18 =	simm.s32 $0x8400;
	[dreg:$0x5] =	wrdreg s20  }
0x12: {  	s25 =	simm.s32 $0xE400;
	s1 =	simm.s32 $0x8;
	[dreg:$0x6] =	wrdreg s21  }
0x13: {  	s6 =	sadd.s32 $0x31800, s6;
	[dreg:$0x8] =	wrdreg s0;
	s0 =	sadd.s32 $0x1800, s23  }
0x14: {  	s15 =	sadd.s32 s26, s2;
	s20 =	simm.s32 $0xA400;
	s23 =	simm.s32 $0x1  }
0x15: {  	s21 =	simm.s32 $0x5;
	s26 =	simm.s32 $0x6;
	[dreg:$0x7] =	wrdreg s6  }
0x16: {  	s5 =	simm.s32 $0x0;
	[dreg:$0x9] =	wrdreg s0;
	s0 =	sshrl.u32 s24, $0x3  }
0x17: {  	s24 =	simm.s32 $0x4;
	s13 =	sadd.s32 s0, s2;
	s0 =	simm.s32 $0x14400  }
.LBB2_1:
0x18: {  	s6 =	rddreg [dreg:$0x3];
	s7 =	simm.s32 $0x9  }
0x19: {  	[tilespmem:s3], [sflag:$0x9] =	stream.linear.gather [hbm4b:s6+s3], $0x6400, $0x38;
	[tilespmem:$0x16400] =	vst v63  }
0x1a: {  	_ =	swait.ge [sflag:s7], $0x6400  }
0x1b: {  	[sflag:s7] =	ssyncset.done $0x0  }
0x1c: {  	[sflag:s7] =	ssyncadd.s32 $0xFFFF9C00  }
0x1d: {  	[tilespmem:s17], [sflag:$0x1] =	stream.indirect.gather [hbm4b:s4+s16], $0x40, s3, s16, $0xb8;
	[tilespmem:$0x16400] =	vst v63  }
0x1e: {  	_ = 	snop  }
0x1f: {  	[tilespmem:s18], [sflag:$0x1] =	stream.indirect.gather [hbm4b:s4+s16], $0x40, s16, s16, $0xb8;
	[tilespmem:$0x16400] =	vst v63  }
0x20: {  	s8 =	simm.s32 $0x100  }
0x21: {  	[tilespmem:s20], [sflag:$0x2] =	stream.indirect.gather [hbm4b:s4+s16], $0x40, s8, s16, $0xb8;
	[tilespmem:$0x16400] =	vst v63  }
0x22: {  	s9 =	simm.s32 $0x180  }
0x23: {  	[tilespmem:s22], [sflag:$0x2] =	stream.indirect.gather [hbm4b:s4+s16], $0x40, s9, s16, $0xb8;
	[tilespmem:$0x16400] =	vst v63  }
0x24: {  	_ =	swait.ge [sflag:s23], $0x2000  }
0x25: {  	[sflag:s23] =	ssyncset.done $0x0  }
0x26: {  	[sflag:s23] =	ssyncadd.s32 $0xFFFFE000  }
0x27: {  	_ =	swait.ge [sflag:s23], $0x2000  }
0x28: {  	[sflag:s23] =	ssyncset.done $0x0  }
0x29: {  	s10 =	rddreg [dreg:$0x4];
	[sflag:s23] =	ssyncadd.s32 $0xFFFFE000  }
0x2a: {  	[hbm4b:s10+s3] =	stream.linear.scatter [tilespmem:s17], [sflag:$0x5], $0x4000, $0x38;
	[tilespmem:$0x16400] =	vst v63  }
0x2b: {  	s11 =	simm.s32 $0x200  }
0x2c: {  	[tilespmem:s25], [sflag:$0x3] =	stream.indirect.gather [hbm4b:s4+s16], $0x40, s11, s16, $0xb8;
	[tilespmem:$0x16400] =	vst v63  }
0x2d: {  	s12 =	simm.s32 $0x280  }
0x2e: {  	[tilespmem:s28], [sflag:$0x3] =	stream.indirect.gather [hbm4b:s4+s16], $0x40, s12, s16, $0xb8;
	[tilespmem:$0x16400] =	vst v63  }
0x2f: {  	_ =	swait.ge [sflag:s29], $0x2000  }
0x30: {  	[sflag:s29] =	ssyncset.done $0x0  }
0x31: {  	[sflag:s29] =	ssyncadd.s32 $0xFFFFE000  }
0x32: {  	_ =	swait.ge [sflag:s29], $0x2000  }
0x33: {  	[sflag:s29] =	ssyncset.done $0x0  }
0x34: {  	s14 =	rddreg [dreg:$0x5];
	[sflag:s29] =	ssyncadd.s32 $0xFFFFE000  }
0x35: {  	[hbm4b:s14+s3] =	stream.linear.scatter [tilespmem:s20], [sflag:$0x6], $0x4000, $0x38;
	[tilespmem:$0x16400] =	vst v63  }
0x36: {  	s7 =	simm.s32 $0x300  }
0x37: {  	[tilespmem:s31], [sflag:$0x4] =	stream.indirect.gather [hbm4b:s4+s16], $0x40, s7, s16, $0xb8;
	[tilespmem:$0x16400] =	vst v63  }
0x38: {  	s8 =	simm.s32 $0x380  }
0x39: {  	[tilespmem:s0], [sflag:$0x4] =	stream.indirect.gather [hbm4b:s4+s16], $0x40, s8, s16, $0xb8;
	[tilespmem:$0x16400] =	vst v63  }
0x3a: {  	_ =	swait.ge [sflag:s19], $0x2000  }
0x3b: {  	[sflag:s19] =	ssyncset.done $0x0  }
0x3c: {  	[sflag:s19] =	ssyncadd.s32 $0xFFFFE000  }
0x3d: {  	_ =	swait.ge [sflag:s19], $0x2000  }
0x3e: {  	[sflag:s19] =	ssyncset.done $0x0  }
0x3f: {  	s9 =	rddreg [dreg:$0x6];
	[sflag:s19] =	ssyncadd.s32 $0xFFFFE000  }
0x40: {  	[hbm4b:s9+s3] =	stream.linear.scatter [tilespmem:s25], [sflag:$0x7], $0x4000, $0x38;
	[tilespmem:$0x16400] =	vst v63  }
0x41: {  	_ =	swait.ge [sflag:s21], $0x4000  }
0x42: {  	[sflag:s21] =	ssyncset.done $0x0  }
0x43: {  	s10 =	simm.s32 $0x400;
	[sflag:s21] =	ssyncadd.s32 $0xFFFFC000  }
0x44: {  	[tilespmem:s17], [sflag:$0x1] =	stream.indirect.gather [hbm4b:s4+s16], $0x40, s10, s16, $0xb8;
	[tilespmem:$0x16400] =	vst v63  }
0x45: {  	s11 =	simm.s32 $0x480  }
0x46: {  	[tilespmem:s18], [sflag:$0x1] =	stream.indirect.gather [hbm4b:s4+s16], $0x40, s11, s16, $0xb8;
	[tilespmem:$0x16400] =	vst v63  }
0x47: {  	_ =	swait.ge [sflag:s24], $0x2000  }
0x48: {  	[sflag:s24] =	ssyncset.done $0x0  }
0x49: {  	[sflag:s24] =	ssyncadd.s32 $0xFFFFE000  }
0x4a: {  	_ =	swait.ge [sflag:s24], $0x2000  }
0x4b: {  	[sflag:s24] =	ssyncset.done $0x0  }
0x4c: {  	s10 =	rddreg [dreg:$0x9];
	[sflag:s24] =	ssyncadd.s32 $0xFFFFE000  }
0x4d: {  	[hbm4b:s10+s3] =	stream.linear.scatter [tilespmem:s31], [sflag:$0x8], $0x4000, $0x38;
	[tilespmem:$0x16400] =	vst v63  }
0x4e: {  	_ =	swait.ge [sflag:s26], $0x4000  }
0x4f: {  	[sflag:s26] =	ssyncset.done $0x0  }
0x50: {  	s12 =	simm.s32 $0x500;
	[sflag:s26] =	ssyncadd.s32 $0xFFFFC000  }
0x51: {  	[tilespmem:s20], [sflag:$0x2] =	stream.indirect.gather [hbm4b:s4+s16], $0x40, s12, s16, $0xb8;
	[tilespmem:$0x16400] =	vst v63  }
0x52: {  	s14 =	simm.s32 $0x580  }
0x53: {  	[tilespmem:s22], [sflag:$0x2] =	stream.indirect.gather [hbm4b:s4+s16], $0x40, s14, s16, $0xb8;
	[tilespmem:$0x16400] =	vst v63  }
0x54: {  	_ =	swait.ge [sflag:s23], $0x2000  }
0x55: {  	[sflag:s23] =	ssyncset.done $0x0  }
0x56: {  	[sflag:s23] =	ssyncadd.s32 $0xFFFFE000  }
0x57: {  	_ =	swait.ge [sflag:s23], $0x2000  }
0x58: {  	s11 =	rddreg [dreg:$0xa]  }
0x59: {  	[sflag:s23] =	ssyncset.done $0x0;
	s7 =	sshrl.u32 s11, $0x3  }
0x5a: {  	[sflag:s23] =	ssyncadd.s32 $0xFFFFE000;
	s6 =	sadd.s32 s2, s7  }
0x5b: {  	[hbm4b:s6+s3] =	stream.linear.scatter [tilespmem:s17], [sflag:$0x5], $0x4000, $0x38;
	[tilespmem:$0x16400] =	vst v63  }
0x5c: {  	_ =	swait.ge [sflag:s30], $0x4000  }
0x5d: {  	[sflag:s30] =	ssyncset.done $0x0  }
0x5e: {  	s8 =	simm.s32 $0x600;
	[sflag:s30] =	ssyncadd.s32 $0xFFFFC000  }
0x5f: {  	[tilespmem:s25], [sflag:$0x3] =	stream.indirect.gather [hbm4b:s4+s16], $0x40, s8, s16, $0xb8;
	[tilespmem:$0x16400] =	vst v63  }
0x60: {  	s9 =	simm.s32 $0x680  }
0x61: {  	[tilespmem:s28], [sflag:$0x3] =	stream.indirect.gather [hbm4b:s4+s16], $0x40, s9, s16, $0xb8;
	[tilespmem:$0x16400] =	vst v63  }
0x62: {  	_ =	swait.ge [sflag:s29], $0x2000  }
0x63: {  	[sflag:s29] =	ssyncset.done $0x0  }
0x64: {  	[sflag:s29] =	ssyncadd.s32 $0xFFFFE000  }
0x65: {  	_ =	swait.ge [sflag:s29], $0x2000  }
0x66: {  	[sflag:s29] =	ssyncset.done $0x0  }
0x67: {  	[sflag:s29] =	ssyncadd.s32 $0xFFFFE000  }
0x68: {  	[hbm4b:s13+s3] =	stream.linear.scatter [tilespmem:s20], [sflag:$0x6], $0x4000, $0x38;
	[tilespmem:$0x16400] =	vst v63  }
0x69: {  	_ =	swait.ge [sflag:s1], $0x4000  }
0x6a: {  	[sflag:s1] =	ssyncset.done $0x0  }
0x6b: {  	s12 =	simm.s32 $0x700;
	[sflag:s1] =	ssyncadd.s32 $0xFFFFC000  }
0x6c: {  	[tilespmem:s31], [sflag:$0x4] =	stream.indirect.gather [hbm4b:s4+s16], $0x40, s12, s16, $0xb8;
	[tilespmem:$0x16400] =	vst v63  }
0x6d: {  	s14 =	simm.s32 $0x780  }
0x6e: {  	[tilespmem:s0], [sflag:$0x4] =	stream.indirect.gather [hbm4b:s4+s16], $0x40, s14, s16, $0xb8;
	[tilespmem:$0x16400] =	vst v63  }
0x6f: {  	_ =	swait.ge [sflag:s19], $0x2000  }
0x70: {  	[sflag:s19] =	ssyncset.done $0x0  }
0x71: {  	[sflag:s19] =	ssyncadd.s32 $0xFFFFE000  }
0x72: {  	s10 =	sadd.s32 $0x2000, s10;
	s7 =	simm.s32 $0x1000;
	_ =	swait.ge [sflag:s19], $0x2000  }
0x73: {  	s6 =	sadd.s32 $0x10000, s11;
	s8 =	sadd.s32 $0x2000, s13;
	[sflag:s19] =	ssyncset.done $0x0  }
0x74: {  	s9 =	sadd.s32 $0x2000, s15;
	s14 =	smov.u32 s15;
	[sflag:s19] =	ssyncadd.s32 $0xFFFFE000  }
.LBB2_2:
0x75: {  	[hbm4b:s14+s3] =	stream.linear.scatter [tilespmem:s25], [sflag:$0x7], $0x4000, $0x38;
	[tilespmem:$0x16400] =	vst v63  }
0x76: {  	s11 =	smov.u32 s7;
	s14 =	smov.u32 s9  }
0x77: {  	p0 =	sne.s32 s7, $0x17000;
	s7 =	sadd.s32 $0x1000, s7;
	_ =	swait.ge [sflag:s21], $0x4000  }
0x78: {  	s11 =	sshra.s32 s11, $0x2;
	[sflag:s21] =	ssyncset.done $0x0  }
0x79: {  	s12 =	sadd.s32 $0x400, s11;
	[sflag:s21] =	ssyncadd.s32 $0xFFFFC000  }
0x7a: {  	[tilespmem:s17], [sflag:$0x1] =	stream.indirect.gather [hbm4b:s4+s16], $0x40, s12, s16, $0xb8;
	[tilespmem:$0x16400] =	vst v63  }
0x7b: {  	s12 =	sadd.s32 $0x480, s11  }
0x7c: {  	[tilespmem:s18], [sflag:$0x1] =	stream.indirect.gather [hbm4b:s4+s16], $0x40, s12, s16, $0xb8;
	[tilespmem:$0x16400] =	vst v63  }
0x7d: {  	_ =	swait.ge [sflag:s24], $0x2000  }
0x7e: {  	[sflag:s24] =	ssyncset.done $0x0  }
0x7f: {  	[sflag:s24] =	ssyncadd.s32 $0xFFFFE000  }
0x80: {  	_ =	swait.ge [sflag:s24], $0x2000  }
0x81: {  	[sflag:s24] =	ssyncset.done $0x0  }
0x82: {  	[sflag:s24] =	ssyncadd.s32 $0xFFFFE000  }
0x83: {  	[hbm4b:s10+s3] =	stream.linear.scatter [tilespmem:s31], [sflag:$0x8], $0x4000, $0x38;
	[tilespmem:$0x16400] =	vst v63  }
0x84: {  	_ =	swait.ge [sflag:s26], $0x4000  }
0x85: {  	[sflag:s26] =	ssyncset.done $0x0  }
0x86: {  	s12 =	sadd.s32 $0x500, s11;
	[sflag:s26] =	ssyncadd.s32 $0xFFFFC000  }
0x87: {  	[tilespmem:s20], [sflag:$0x2] =	stream.indirect.gather [hbm4b:s4+s16], $0x40, s12, s16, $0xb8;
	[tilespmem:$0x16400] =	vst v63  }
0x88: {  	s12 =	sadd.s32 $0x580, s11  }
0x89: {  	[tilespmem:s22], [sflag:$0x2] =	stream.indirect.gather [hbm4b:s4+s16], $0x40, s12, s16, $0xb8;
	[tilespmem:$0x16400] =	vst v63  }
0x8a: {  	_ =	swait.ge [sflag:s23], $0x2000  }
0x8b: {  	[sflag:s23] =	ssyncset.done $0x0  }
0x8c: {  	[sflag:s23] =	ssyncadd.s32 $0xFFFFE000  }
0x8d: {  	_ =	swait.ge [sflag:s23], $0x2000  }
0x8e: {  	s12 =	sshrl.u32 s6, $0x3;
	[sflag:s23] =	ssyncset.done $0x0  }
0x8f: {  	s12 =	sadd.s32 s2, s12;
	[sflag:s23] =	ssyncadd.s32 $0xFFFFE000  }
0x90: {  	[hbm4b:s12+s3] =	stream.linear.scatter [tilespmem:s17], [sflag:$0x5], $0x4000, $0x38;
	[tilespmem:$0x16400] =	vst v63  }
0x91: {  	_ =	swait.ge [sflag:s30], $0x4000  }
0x92: {  	[sflag:s30] =	ssyncset.done $0x0  }
0x93: {  	s12 =	sadd.s32 $0x600, s11;
	[sflag:s30] =	ssyncadd.s32 $0xFFFFC000  }
0x94: {  	[tilespmem:s25], [sflag:$0x3] =	stream.indirect.gather [hbm4b:s4+s16], $0x40, s12, s16, $0xb8;
	[tilespmem:$0x16400] =	vst v63  }
0x95: {  	s12 =	sadd.s32 $0x680, s11  }
0x96: {  	[tilespmem:s28], [sflag:$0x3] =	stream.indirect.gather [hbm4b:s4+s16], $0x40, s12, s16, $0xb8;
	[tilespmem:$0x16400] =	vst v63  }
0x97: {  	_ =	swait.ge [sflag:s29], $0x2000  }
0x98: {  	[sflag:s29] =	ssyncset.done $0x0  }
0x99: {  	[sflag:s29] =	ssyncadd.s32 $0xFFFFE000  }
0x9a: {  	_ =	swait.ge [sflag:s29], $0x2000  }
0x9b: {  	[sflag:s29] =	ssyncset.done $0x0  }
0x9c: {  	[sflag:s29] =	ssyncadd.s32 $0xFFFFE000  }
0x9d: {  	[hbm4b:s8+s3] =	stream.linear.scatter [tilespmem:s20], [sflag:$0x6], $0x4000, $0x38;
	[tilespmem:$0x16400] =	vst v63  }
0x9e: {  	_ =	swait.ge [sflag:s1], $0x4000  }
0x9f: {  	[sflag:s1] =	ssyncset.done $0x0  }
0xa0: {  	s12 =	sadd.s32 $0x700, s11;
	[sflag:s1] =	ssyncadd.s32 $0xFFFFC000  }
0xa1: {  	[tilespmem:s31], [sflag:$0x4] =	stream.indirect.gather [hbm4b:s4+s16], $0x40, s12, s16, $0xb8;
	[tilespmem:$0x16400] =	vst v63  }
0xa2: {  	s11 =	sadd.s32 $0x780, s11  }
0xa3: {  	[tilespmem:s0], [sflag:$0x4] =	stream.indirect.gather [hbm4b:s4+s16], $0x40, s11, s16, $0xb8;
	[tilespmem:$0x16400] =	vst v63  }
0xa4: {  	_ =	swait.ge [sflag:s19], $0x2000  }
.Ltmp0:
0xa5: {  	[sflag:s19] =	ssyncset.done $0x0;
	(pc) =	sbr.rel @p0 .LBB2_2-.Ltmp0, $4  }
0xa6: {  	[sflag:s19] =	ssyncadd.s32 $0xFFFFE000  }
0xa7: {  	_ =	swait.ge [sflag:s19], $0x2000  }
0xa8: {  	s9 =	sadd.s32 $0x2000, s9;
	s8 =	sadd.s32 $0x2000, s8;
	[sflag:s19] =	ssyncset.done $0x0  }
0xa9: {  	s10 =	sadd.s32 $0x2000, s10;
	s6 =	sadd.s32 $0x10000, s6;
	[sflag:s19] =	ssyncadd.s32 $0xFFFFE000  }
0xaa: {  	[hbm4b:s14+s3] =	stream.linear.scatter [tilespmem:s25], [sflag:$0x7], $0x4000, $0x38;
	[tilespmem:$0x16400] =	vst v63  }
0xab: {  	_ =	swait.ge [sflag:s24], $0x2000  }
0xac: {  	[sflag:s24] =	ssyncset.done $0x0  }
0xad: {  	[sflag:s24] =	ssyncadd.s32 $0xFFFFE000  }
0xae: {  	_ =	swait.ge [sflag:s24], $0x2000  }
0xaf: {  	[sflag:s24] =	ssyncset.done $0x0  }
0xb0: {  	s6 =	rddreg [dreg:$0x7];
	[sflag:s24] =	ssyncadd.s32 $0xFFFFE000  }
0xb1: {  	[hbm4b:s6+s3] =	stream.linear.scatter [tilespmem:s31], [sflag:$0x8], $0x4000, $0x38;
	[tilespmem:$0x16400] =	vst v63  }
0xb2: {  	_ =	swait.ge [sflag:s21], $0x4000  }
0xb3: {  	[sflag:s21] =	ssyncset.done $0x0  }
0xb4: {  	[sflag:s21] =	ssyncadd.s32 $0xFFFFC000  }
0xb5: {  	_ =	swait.ge [sflag:s26], $0x4000  }
0xb6: {  	[sflag:s26] =	ssyncset.done $0x0  }
0xb7: {  	[sflag:s26] =	ssyncadd.s32 $0xFFFFC000  }
0xb8: {  	_ =	swait.ge [sflag:s30], $0x4000  }
0xb9: {  	[sflag:s30] =	ssyncset.done $0x0  }
0xba: {  	[sflag:s30] =	ssyncadd.s32 $0xFFFFC000  }
0xbb: {  	_ =	swait.ge [sflag:s1], $0x4000  }
0xbc: {  	s5 =	sadd.s32 $0x1, s5;
	s14 =	rddreg [dreg:$0x8]  }
0xbd: {  	p0 =	sne.s32 s5, s14  }
.Ltmp1:
0xbe: {  	_ = 	snop;
	(pc) =	sbr.rel @p0 .LBB2_1-.Ltmp1, $3  }
0xbf: {  	_ =	sdelay $0x1  }
0xc0: {  	[sflag:s1] =	ssyncset.done $0x0  }
0xc1: {  	[sflag:s1] =	ssyncadd.s32 $0xFFFFC000  }
0xc2: {  	_ =	sfence.sel $0x180000  }
0xc3: {  	[bflag:$0x0] =	sbarrier.arrive $0xFFFF  }
0xc4: {  	_ =	strace $0x90000047  }
0xc5: {  	s0 =	stileid.u32;
	[bflag:$0x2] =	sbarrier.arrive $0xFFFF  }
0xc6: {  	p0 =	sne.s32 s0, $0x0;
	s0 =	rddreg [dreg:$0x2]  }
0xc7: {  	s0 =	sadd.s32 @!p0 $0x100000, s0  }
0xc8: {  	[sflag:s0] =	ssyncadd.tile.s32 @!p0 $0x1;
	_ =	shalt  }
.Lfunc_end2:
_tile_overlayer_lowered:
.L_overlay_start_2:
0xc9: {  	(tag) =	ssettag $0x2  }
0xca: {  	s0 =	rddreg [dreg:$0x0];
	s2 =	stileid.u32  }
0xcb: {  	s1 =	rddreg [dreg:$0x1];
	p0 =	sne.s32 s2, $0x0  }
0xcc: {  	s3 =	rddreg [dreg:$0x2];
	[bflag:$0x3] =	sbarrier.arrive $0xFFFF;
	s2 =	simm.s32 @!p0 $0x1C09  }
0xcd: {  	[timem:s3], [sflag:s2] =	dma.local @!p0 [hbm:s0], s1  }
0xce: {  	s0 =	simm.s32 @!p0 $0x9  }
0xcf: {  	_ =	swait.ge @!p0 [sflag:s0], s1  }
0xd0: {  	s1 =	ssub.s32 @!p0 $0x0, s1;
	[sflag:s0] =	ssyncset.done @!p0 $0x0  }
0xd1: {  	[sflag:s0] =	ssyncadd.s32 @!p0 s1  }
0xd2: {  	[bflag:$0x3] =	sbarrier.arrive $0xFFFF  }
0xd3: {  	_ =	shalt  }

// kernel: sparse-core-data-format-call.cloned.1.call-start
scs
called_computation_lowered:
.L_overlay_start_0:
0x0: {  	s2 =	sld [smem:$0x3FD9]  }
0x1: {  	s3 =	sld [smem:$0x3FFE];
	_ =	sdelay $0x1  }
0x2: {  	s1 =	srdreg.scid  }
0x3: {  	s0 =	sand.u32 $0x1, s1  }
0x4: {  	s18 =	sshll.u32 s0, $0xA;
	s2 =	sadd.s32 s3, s2  }
0x5: {  	s2 =	sadd.s32 s2, s18  }
0x6: {  	[smem:$0x3FC6] =	sst s2  }
0x7: {  	_ = 	snop  }
0x8: {  	s2 =	sld [smem:$0x3FD0];
	(tm) =	ssettm $0x1  }
0x9: {  	s19 =	sld [smem:$0x3FFB];
	_ =	sdelay $0x3  }
0xa: {  	_ =	strace s19  }
0xb: {  	s3 =	sld [smem:$0x3FFC];
	_ =	sdelay $0x3  }
0xc: {  	_ =	strace s3  }
0xd: {  	s3 =	sld [smem:$0x3FFD];
	_ =	sdelay $0x3  }
0xe: {  	_ =	strace s3  }
0xf: {  	_ =	strace $0x8FFFFFFF  }
0x10: {  	s20 =	sld [smem:$0x3FDB];
	_ =	sdelay $0x1  }
0x11: {  	s4 =	simm.s32 $_scs_section_size  }
0x12: {  	s5 =	simm.s32 $_size__tile_overlayer_lowered;
	s6 =	simm.s32 $_tile_overlayer_lowered  }
0x13: {  	s23 =	simm.s32 $0x1BFF;
	s22 =	sshll.u32 s6, $0x1;
	s3 =	sadd.s32 s4, s20  }
0x14: {  	s7 =	simm.s32 $0x0;
	s21 =	sshll.u32 s5, $0x1;
	s5 =	sadd.s32 s22, s3  }
0x15: {  	[timem:s7], [sflag:s23] =	dma.local [hbm:s5], s21  }
0x16: {  	_ =	swait.ge [sflag:s23], s21  }
0x17: {  	s4 =	ssub.s32 $0x0, s21;
	[sflag:s23] =	ssyncset.done $0x0  }
0x18: {  	[sflag:s23] =	ssyncadd.s32 s4;
	_ =	sdelay $0x1  }
0x19: {  	s24 =	simm.s32 $0x1B8B  }
0x1a: {  	_ =	swait.ge [sflag:s24], $0x1  }
0x1b: {  	[sflag:s24] =	ssyncset.done $0x0  }
0x1c: {  	s26 =	simm.s32 $0x1B8E;
	s25 =	sld [smem:$0x3FFE];
	[sflag:s24] =	ssyncadd.s32 $0xFFFFFFFF  }
0x1d: {  	s27 =	simm.s32 $execute0_lowered;
	[smem:$0x3FD2] =	sst s26  }
0x1e: {  	s5 =	sshll.u32 s27, $0x1;
	_ =	strace $0x80000049;
	[dreg:$0x1] =	wrdreg $0xFFFFFFFF  }
0x1f: {  	s28 =	simm.s32 $_size_execute0_lowered;
	s3 =	sadd.s32 s3, s5;
	[dreg:$0x0] =	wrdreg $0x0  }
0x20: {  	s5 =	sshll.u32 s28, $0x1;
	[dreg:$0x2] =	wrdreg s3  }
0x21: {  	[dreg:$0x3] =	wrdreg s5  }
0x22: {  	[dreg:$0x4] =	wrdreg $0xC0  }
0x23: {  	_ =	task [dreg:s7], $0x5FFFF  }
0x24: {  	[dreg:$0x1] =	wrdreg $0xFFFFFFFF  }
0x25: {  	[dreg:$0x0] =	wrdreg $0x60  }
0x26: {  	[dreg:$0x2] =	wrdreg s25  }
0x27: {  	[dreg:$0x3] =	wrdreg s2  }
0x28: {  	[dreg:$0x4] =	wrdreg $0x9  }
0x29: {  	_ =	task.clear_ibuf [dreg:s7], $0x5FFFF;
	_ =	strace $0x90000049  }
0x2a: {  	s29 =	simm.s32 $0x9;
	_ =	strace $0x8000004B  }
0x2b: {  	_ =	swait.ge [sflag:s29], $0x1  }
0x2c: {  	[sflag:s29] =	ssyncadd.s32 $0xFFFFFFFF  }
0x2d: {  	_ =	strace $0x9000004B  }
0x2e: {  	_ =	sfence  }
0x2f: {  	s30 =	sld [smem:$0x0];
	_ =	sdelay $0x2  }
0x30: {  	s31 =	sshll.u32 s1, $0xD;
	s1 =	sshrl.u32 s1, $0x2  }
0x31: {  	s3 =	sand.u32 $0x4000, s31;
	s1 =	sadd.s32 s1, s30  }
0x32: {  	s0 =	sor.u32 s3, s0;
	s1 =	sshll.u32 s1, $0x11  }
0x33: {  	s0 =	sor.u32 s1, s0  }
0x34: {  	s0 =	sadd.s32 $0x8F2B, s0  }
0x35: {  	[sflag:s0] =	ssyncadd.remote.s32 $0x1  }
0x36: {  	_ =	sfence.sel $0xFFFF  }
0x37: {  	[dreg:$0x0] =	wrdreg $0xFFFFFFFF;
	(pc) =	sbr.abs _section_cstart, $3  }
0x38: {  	[dreg:$0x1] =	wrdreg $0xFFFFFFFF  }
0x39: {  	_ =	task.clear_ibuf [dreg:s7], $0x2FFFF;
	_ =	strace $0x9FFFFFFF  }
0x3a: {  	(tm) =	ssettm $0x7FFFFFFF  }
0x3b: {  	_ =	shalt  }
tec
execute0_lowered:
.L_overlay_start_1:
0x0: {  	(tag) =	ssettag $0x1  }
0x1: {  	s0 =	srdreg.scid  }
0x2: {  	s1 =	sshll.u32 s0, $0x4  }
0x3: {  	s0 =	stileid.u32;
	s1 =	sand.u32 $0x10, s1  }
0x4: {  	s1 =	sor.u32 s0, s1  }
0x5: {  	s6 =	rddreg [dreg:$0x0];
	s4 =	simm.s32 $0x1;
	s2 =	sshll.u32 s1, $0x7  }
0x6: {  	s7 =	simm.s32 $0x2;
	s12 =	simm.s32 $0x0;
	s1 =	ssub.s32 $0x4000, s2  }
0x7: {  	s8 =	simm.s32 $0x20000;
	s13 =	simm.s32 $0x0;
	s3 =	sand.u32 $0xF80, s1  }
0x8: {  	s9 =	simm.s32 $0x0;
	s5 =	sshrl.u32 s1, $0xC;
	p0 =	sne.s32 s3, $0x0  }
.Ltmp0:
0x9: {  	s1 =	rddreg [dreg:$0x2];
	s4 =	simm.s32 @!p0 $0x0;
	(pc) =	sbr.rel .LBB1_1-.Ltmp0, $4  }
0xa: {  	s11 =	simm.s32 $0x0;
	s3 =	rddreg [dreg:$0x1];
	s5 =	sadd.s32 s4, s5  }
0xb: {  	_ =	strace $0x8000004A;
	s4 =	simm.s32 $0x1;
	s5 =	smul.u32 $0x32, s5  }
0xc: {  	s6 =	sadd.s32 $0xA00, s6;
	s10 =	smov.u32 s2;
	[sflag:s4] =	ssyncpa.u1 $0x0  }
0xd: {  	p0 =	por $0x0, $0x0;
	[sflag:s7] =	ssyncpa.u1 $0x0;
	s7 =	sor.u32 $0x1, s5  }
.LBB1_4:
0xe: {  	s16 =	sshll.u32 s13, $0x3;
	s17 =	sand.u32 $0x78, s13  }
0xf: {  	s30 =	sand.u32 $0x1F800, s13;
	s12 =	sshll.u32 s12, $0x11;
	s16 =	sand.u32 $0x3C00, s16  }
0x10: {  	[tilespmem:s15+$0x810 ss:$0x81] =	vst.msk $0xffff, v2;
	s31 =	sand.u32 $0x7, s13;
	s16 =	sor.u32 s17, s16;
	s17 =	sadd.s32 s3, s30  }
0x11: {  	[tilespmem:s15+$0x1020 ss:$0x81] =	vst.msk $0xffff, v0;
	s13 =	sshll.u32 s31, $0x12;
	s12 =	sadd.s32 s12, s17;
	s16 =	sshrl.u32 s16, $0x3  }
0x12: {  	[tilespmem:s15+$0x0 ss:$0x81] =	vst.msk $0xffff, v1;
	s13 =	sor.u32 $0x400, s13;
	s12 =	sadd.s32 s16, s12  }
0x13: {  	[hbm4b:s12+s13] =	stream.strided.scatter [tilespmem:s14], [sflag:$0x2], $0x2000, s8, s13, $0x20;
	[tilespmem:$0x8080] =	vst v63  }
.LBB1_5:
0x14: {  	s14 =	sadd.s32 $0x1, s9  }
0x15: {  	s12 =	sadd.s32 $0x1000, s10;
	s16 =	smov.u32 s10;
	p2 =	sgt.s32 s14, $0x31  }
0x16: {  	s16 =	smov.u32 @p2 s12  }
0x17: {  	s14 =	simm.s32 @p2 $0x0;
	p2 =	sgt.s32 s16, $0x3FFF  }
0x18: {  	s16 =	smov.u32 @p2 s2;
	p2 =	sne.s32 s11, s7  }
.Ltmp1:
0x19: {  	p1 =	slt.u32 s11, $0x2;
	(pc) =	sbr.rel @!p2 .LBB1_6-.Ltmp1, $4  }
0x1a: {  	s15 =	simm.s32 @!p1 $0x2  }
0x1b: {  	s13 =	smov.u32 s10;
	p0 =	por !p0, !p0;
	_ =	swait.ge @!p1 [sflag:s15], $0x2000  }
0x1c: {  	s12 =	smov.u32 s9;
	[sflag:s15] =	ssyncset.done @!p1 $0x0;
	s9 =	smov.u32 s14  }
0x1d: {  	s11 =	sadd.s32 $0x1, s11;
	[sflag:s15] =	ssyncadd.s32 @!p1 $0xFFFFE000;
	s10 =	smov.u32 s16  }
.LBB1_1:
0x1e: {  	p1 =	sge.u32 s11, s5  }
0x1f: {  	s14 =	sand.u32 @!p1 $0x1FFFFFF, s9  }
0x20: {  	s15 =	smulhi.u32 @!p1 $0x4924925, s14;
	_ =	sdelay $0x1  }
0x21: {  	s15 =	smul.u32 @!p1 $0x38, s15  }
0x22: {  	s16 =	sxor.u32 @!p1 $0xFFFFFFFF, s11;
	s17 =	smul.u32 @!p1 $0x380, s10  }
0x23: {  	s31 =	sadd.s32 $0xFFFFFFFF, s11;
	s16 =	sshll.u32 @!p1 s16, $0xD;
	s14 =	ssub.s32 @!p1 s14, s15  }
0x24: {  	s15 =	sand.u32 @!p1 $0x2000, s16;
	s16 =	sadd.s32 @!p1 s6, s17;
	s14 =	sshll.u32 @!p1 s14, $0x4  }
0x25: {  	s17 =	simm.s32 @!p1 $0x1C00;
	s14 =	sadd.s32 @!p1 s14, s16;
	s16 =	simm.s32 @!p1 $0x40  }
0x26: {  	[tilespmem:s15], [sflag:$0x1] =	stream.strided.gather @!p1 [hbm4b:s14+s16], $0x2000, s17, s16, $0x38;
	[tilespmem:$0x8080] =	vst v63  }
0x27: {  	p1 =	sge.u32 s31, s5  }
.Ltmp2:
0x28: {  	_ = 	snop;
	(pc) =	sbr.rel @p1 .LBB1_5-.Ltmp2, $1  }
0x29: {  	_ =	sdelay $0x3  }
0x2a: {  	s14 =	simm.s32 $0x1  }
0x2b: {  	_ =	swait.ge [sflag:s4], $0x2000;
	s14 =	simm.s32 @!p0 $0x0  }
0x2c: {  	[sflag:s4] =	ssyncset.done $0x0;
	s15 =	sshll.u32 s14, $0xD  }
0x2d: {  	[sflag:s4] =	ssyncadd.s32 $0xFFFFE000;
	s18 =	sor.u32 $0x20, s15  }
0x2e: {  	s14 =	smul.u32 $0x8100, s14;
	v3 =	vld [tilespmem:s18+$0x10]  }
0x2f: {  	s30 =	sand.u32 $0x1, s11;
	v2 =	vld [tilespmem:s18+$0xFFFFFFF0]  }
0x30: {  	s15 =	smul.u32 $0x8100, s30;
	s14 =	sshrl.u32 s14, $0x2;
	v0 =	vld [tilespmem:s18+$0x0]  }
0x31: {  	v1 =	vld [tilespmem:s18+$0xFFFFFFE0];
	s16 =	sor.u32 $0x4000, s14  }
0x32: {  	s31 =	sshrl.u32 s15, $0x2;
	s15 =	sadd.s32 $0x0, s16  }
0x33: {  	s17 =	simm.s32 $0x4;
	s18 =	sadd.s32 $0x40, s18;
	s14 =	sor.u32 $0x4000, s31;
	[tilespmem:s15+$0x1830 ss:$0x81] =	vst.msk $0xffff, v3  }
.LBB1_3:
0x34: {  	v3 =	vld [tilespmem:s18+$0x10];
	p1 =	sne.s32 s17, $0x1FC;
	[tilespmem:s15+$0x810 ss:$0x81] =	vst.msk $0xffff, v2;
	s19 =	smov.u32 s17;
	s17 =	sadd.s32 $0x4, s17  }
.Ltmp3:
0x35: {  	v2 =	vld [tilespmem:s18+$0xFFFFFFF0];
	[tilespmem:s15+$0x1020 ss:$0x81] =	vst.msk $0xffff, v0;
	(pc) =	sbr.rel @p1 .LBB1_3-.Ltmp3, $4  }
0x36: {  	v0 =	vld [tilespmem:s18+$0x0];
	[tilespmem:s15+$0x0 ss:$0x81] =	vst.msk $0xffff, v1  }
0x37: {  	s15 =	sshra.s32 s19, $0x2;
	v1 =	vld [tilespmem:s18+$0xFFFFFFE0]  }
0x38: {  	s15 =	sadd.s32 s15, s16  }
0x39: {  	s18 =	sadd.s32 $0x40, s18;
	[tilespmem:s15+$0x1830 ss:$0x81] =	vst.msk $0xffff, v3  }
.Ltmp4:
0x3a: {  	_ = 	snop;
	(pc) =	sbr.rel .LBB1_4-.Ltmp4, $1  }
0x3b: {  	_ =	sdelay $0x3  }
.LBB1_6:
0x3c: {  	_ =	sfence.sel $0x180000  }
0x3d: {  	s2 =	simm.s32 $0x1;
	[bflag:$0x0] =	sbarrier.arrive $0xFFFF  }
0x3e: {  	s31 =	simm.s32 $0x2;
	[sflag:s2] =	ssyncpa.u1 $0x1  }
0x3f: {  	[sflag:s31] =	ssyncpa.u1 $0x1  }
0x40: {  	p0 =	sne.s32 s0, $0x0;
	_ =	strace $0x9000004A  }
0x41: {  	s0 =	sadd.s32 @!p0 $0x100000, s1;
	[bflag:$0x2] =	sbarrier.arrive $0xFFFF  }
0x42: {  	[sflag:s0] =	ssyncadd.tile.s32 @!p0 $0x1;
	_ =	shalt  }
.Lfunc_end1:
_tile_overlayer_lowered:
.L_overlay_start_2:
0x43: {  	(tag) =	ssettag $0x2  }
0x44: {  	s0 =	rddreg [dreg:$0x0];
	s2 =	stileid.u32  }
0x45: {  	s1 =	rddreg [dreg:$0x1];
	p0 =	sne.s32 s2, $0x0  }
0x46: {  	s3 =	rddreg [dreg:$0x2];
	[bflag:$0x3] =	sbarrier.arrive $0xFFFF;
	s2 =	simm.s32 @!p0 $0x1C01  }
0x47: {  	[timem:s3], [sflag:s2] =	dma.local @!p0 [hbm:s0], s1  }
0x48: {  	s0 =	simm.s32 @!p0 $0x1  }
0x49: {  	_ =	swait.ge @!p0 [sflag:s0], s1  }
0x4a: {  	s1 =	ssub.s32 @!p0 $0x0, s1;
	[sflag:s0] =	ssyncset.done @!p0 $0x0  }
0x4b: {  	[sflag:s0] =	ssyncadd.s32 @!p0 s1  }
0x4c: {  	[bflag:$0x3] =	sbarrier.arrive $0xFFFF  }
0x4d: {  	_ =	shalt  }

</sc_bundles>
